<compile_context>
chip_gen: v7x
topology: tpu7x:2x2x1
jax: 0.10.2.dev20260603
libtpu: 0.0.44.dev20260713+nightly
codegen_flags: <defaults>
</compile_context>

<pallas_src>
import jax
import jax.numpy as jnp
import numpy as np
from jax import lax
from jax.experimental import pallas as pl
from jax.experimental.pallas import tpu as pltpu
from jax.experimental.pallas import tpu_sc as plsc

N = 10000
E = 320000
D_IN = 128
D_HID = 128
D_OUT = 3
BN_EPS = 1e-5

NC, NS = 2, 16
NW = NC * NS
CHUNK = 128
K = -(-E // (NW * CHUNK))
EPW = K * CHUNK
EPAD = NW * EPW
NP = 10240
W2P = 16
HI = NP // CHUNK

_mesh = plsc.VectorSubcoreMesh(core_axis_name="c", subcore_axis_name="s",
                               num_cores=NC, num_subcores=NS)


def _make_scat(width, acc_rows):
    rpt = acc_rows // NS

    def body(tab_hbm, gidx_hbm, sidx_hbm, z_hbm, out_hbm,
             gidx_v, sidx_v, rows_v, acc_sh, sem):
        c = lax.axis_index("c")
        s = lax.axis_index("s")
        wid = c * NS + s
        pltpu.sync_copy(z_hbm, acc_sh.at[pl.ds(s * rpt, rpt)])
        pltpu.sync_copy(gidx_hbm.at[wid], gidx_v)
        pltpu.sync_copy(sidx_hbm.at[wid], sidx_v)
        plsc.subcore_barrier()

        def chunk(j, carry):
            pltpu.async_copy(tab_hbm.at[gidx_v.at[j]], rows_v, sem).wait()
            pltpu.sync_copy(rows_v, acc_sh.at[sidx_v.at[j]], add=True)
            return carry

        lax.fori_loop(0, K, chunk, 0)
        plsc.subcore_barrier()
        pltpu.sync_copy(acc_sh.at[pl.ds(s * rpt, rpt)],
                        out_hbm.at[c, pl.ds(s * rpt, rpt)])

    return pl.kernel(
        body,
        out_type=jax.ShapeDtypeStruct((NC, acc_rows, width), jnp.float32),
        mesh=_mesh,
        scratch_types=[
            pltpu.VMEM((K, CHUNK), jnp.int32),
            pltpu.VMEM((K, CHUNK), jnp.int32),
            pltpu.VMEM((CHUNK, width), jnp.float32),
            pltpu.VMEM_SHARED((acc_rows, width), jnp.float32),
            pltpu.SemaphoreType.DMA,
        ],
    )


_EB = 3200


def _deg_body(hi_ref, lo_ref, deg_ref):
    i = pl.program_id(0)
    hia = jnp.broadcast_to(hi_ref[...], (HI, _EB)) == lax.broadcasted_iota(
        jnp.int32, (HI, _EB), 0)
    lob = jnp.broadcast_to(lo_ref[...], (_EB, CHUNK)) == lax.broadcasted_iota(
        jnp.int32, (_EB, CHUNK), 1)
    part = jnp.dot(hia.astype(jnp.bfloat16), lob.astype(jnp.bfloat16),
                   preferred_element_type=jnp.float32)

    @pl.when(i == 0)
    def _():
        deg_ref[...] = jnp.zeros_like(deg_ref)

    deg_ref[...] += part


_BLK = 2048


def _dinv_of(dd_ref):
    return lax.rsqrt(dd_ref[...] + 1.0)


def _tca_body(x_ref, dd_ref, xh_ref):
    xh_ref[...] = x_ref[...] * _dinv_of(dd_ref)


def _tcb_body(p1_ref, xh_ref, dd_ref, w1_ref, b1_ref, gam_ref, bet_ref,
              ah_ref):
    dinv = _dinv_of(dd_ref)
    z1 = (p1_ref[0] + p1_ref[1] + xh_ref[...]) * dinv
    o1 = jnp.dot(z1, w1_ref[...], preferred_element_type=jnp.float32) + b1_ref[...]
    a = jnp.maximum(o1, 0.0) * gam_ref[...] + bet_ref[...]
    ah_ref[...] = a * dinv


def _tcc_body(p2_ref, ah_ref, dd_ref, w2_ref, b2_ref, o_ref):
    dinv = _dinv_of(dd_ref)
    z2 = (p2_ref[0] + p2_ref[1] + ah_ref[...]) * dinv
    o_ref[...] = jnp.dot(z2, w2_ref[...],
                         preferred_element_type=jnp.float32) + b2_ref[...]


def _row_spec(w):
    return pl.BlockSpec((_BLK, w), lambda i: (i, 0))


def _pair_spec(w):
    return pl.BlockSpec((2, _BLK, w), lambda i: (0, i, 0))


def _full_spec(r, ccols):
    return pl.BlockSpec((r, ccols), lambda i: (0, 0))


def kernel(x, edge_index, W1, b1, gamma, beta, W2, b2):
    src = edge_index[0]
    dst = edge_index[1]
    pad = EPAD - E
    src_p = jnp.concatenate([src, jnp.zeros((pad,), jnp.int32)]).reshape(NW, K, CHUNK)
    dst_p = jnp.concatenate([dst, jnp.full((pad,), N, jnp.int32)]).reshape(NW, K, CHUNK)
    hi_row = (dst >> 7).reshape(1, E)
    lo_col = (dst & 127).reshape(E, 1)

    z128 = jnp.zeros((NP // NS, D_HID), jnp.float32)

    x_pad = jnp.pad(x, ((0, NP - N), (0, 0)))
    gamma_eff = (gamma * np.float32(1.0 / np.sqrt(1.0 + BN_EPS))).reshape(1, D_HID)
    beta_r = beta.reshape(1, D_HID)
    b1_r = b1.reshape(1, D_HID)
    W2p = jnp.zeros((D_HID, W2P), jnp.float32).at[:, :D_OUT].set(W2)
    b2p = jnp.zeros((1, W2P), jnp.float32).at[0, :D_OUT].set(b2)

    deg2d = pl.pallas_call(
        _deg_body,
        grid=(E // _EB,),
        in_specs=[pl.BlockSpec((1, _EB), lambda i: (0, i)),
                  pl.BlockSpec((_EB, 1), lambda i: (i, 0))],
        out_specs=pl.BlockSpec((HI, CHUNK), lambda i: (0, 0)),
        out_shape=jax.ShapeDtypeStruct((HI, CHUNK), jnp.float32),
    )(hi_row, lo_col)
    dd = deg2d.reshape(NP, 1)

    grid = NP // _BLK
    col_spec = pl.BlockSpec((_BLK, 1), lambda i: (i, 0))

    xh = pl.pallas_call(
        _tca_body,
        grid=(grid,),
        in_specs=[_row_spec(D_IN), col_spec],
        out_specs=_row_spec(D_IN),
        out_shape=jax.ShapeDtypeStruct((NP, D_IN), jnp.float32),
    )(x_pad, dd)

    p1 = _make_scat(D_HID, NP)(xh, src_p, dst_p, z128)

    ah = pl.pallas_call(
        _tcb_body,
        grid=(grid,),
        in_specs=[_pair_spec(D_HID), _row_spec(D_HID), col_spec,
                  _full_spec(D_IN, D_HID), _full_spec(1, D_HID),
                  _full_spec(1, D_HID), _full_spec(1, D_HID)],
        out_specs=_row_spec(D_HID),
        out_shape=jax.ShapeDtypeStruct((NP, D_HID), jnp.float32),
    )(p1, xh, dd, W1, b1_r, gamma_eff, beta_r)

    p2 = _make_scat(D_HID, NP)(ah, src_p, dst_p, z128)

    o = pl.pallas_call(
        _tcc_body,
        grid=(grid,),
        in_specs=[_pair_spec(D_HID), _row_spec(D_HID), col_spec,
                  _full_spec(D_HID, W2P), _full_spec(1, W2P)],
        out_specs=_row_spec(W2P),
        out_shape=jax.ShapeDtypeStruct((NP, W2P), jnp.float32),
    )(p2, ah, dd, W2p, b2p)

    return o[:N, :D_OUT]

# --- scband reference (transcript-rebuilt; emitter-appended) ---
"""Pipeline reference for scband-splice-graph-31361851195944 (READ-ONLY COPY).

The authoritative reference and input builder live on the scoring server;
editing this copy changes nothing except your own understanding.
"""

import jax, jax.numpy as jnp
import numpy as np

N = 10000
E = 320000
D_IN = 128
D_HID = 128
D_OUT = 3
BN_EPS = 1e-5


def setup_inputs(seed: int = 0) -> dict:
    key = jax.random.key(seed)
    ks = jax.random.split(key, 8)
    x = jax.random.normal(ks[0], (N, D_IN), dtype=jnp.float32)
    edge_index = jax.random.randint(ks[1], (2, E), 0, N, dtype=jnp.int32)
    W1 = jax.random.normal(ks[2], (D_IN, D_HID), dtype=jnp.float32) * (1.0 / np.sqrt(D_IN))
    b1 = jnp.zeros((D_HID,), dtype=jnp.float32)
    gamma = jax.random.uniform(ks[3], (D_HID,), dtype=jnp.float32, minval=0.8, maxval=1.2)
    beta = jax.random.normal(ks[4], (D_HID,), dtype=jnp.float32) * 0.1
    W2 = jax.random.normal(ks[5], (D_HID, D_OUT), dtype=jnp.float32) * (1.0 / np.sqrt(D_HID))
    b2 = jnp.zeros((D_OUT,), dtype=jnp.float32)
    return {"x": x, "edge_index": edge_index, "W1": W1, "b1": b1,
            "gamma": gamma, "beta": beta, "W2": W2, "b2": b2}


def _gcn_conv(x, edge_index, W, b):
    # GCNConv: out = D^{-1/2} (A + I) D^{-1/2} X W + b
    n = x.shape[0]
    src = edge_index[0]
    dst = edge_index[1]
    loop = jnp.arange(n, dtype=src.dtype)
    src2 = jnp.concatenate([src, loop])
    dst2 = jnp.concatenate([dst, loop])
    ones = jnp.ones(src2.shape[0], dtype=x.dtype)
    deg = jax.ops.segment_sum(ones, dst2, num_segments=n)
    dinv = jnp.where(deg > 0, jax.lax.rsqrt(jnp.maximum(deg, 1e-12)), 0.0)
    norm = dinv[src2] * dinv[dst2]
    h = x @ W
    msg = h[src2] * norm[:, None]
    out = jax.ops.segment_sum(msg, dst2, num_segments=n)
    return out + b


def reference(x, edge_index, W1, b1, gamma, beta, W2, b2):
    h = _gcn_conv(x, edge_index, W1, b1)
    h = jax.nn.relu(h)
    # BatchNorm in eval mode with fresh buffers (running_mean=0, running_var=1)
    h = h * (gamma * jax.lax.rsqrt(jnp.asarray(1.0 + BN_EPS, dtype=h.dtype))) + beta
    # F.dropout with training=False is identity (eval mode)
    out = _gcn_conv(h, edge_index, W2, b2)
    return out

if __name__ == "__main__":
    import jax
    _d = setup_inputs()
    print(jax.jit(kernel)(*tuple(_d.values())))

</pallas_src>

<mosaic_0001>
#map = affine_map<(d0, d1) -> (0, 0)>
#map1 = affine_map<(d0, d1) -> (0, 0, 0)>
module attributes {stable_mosaic.version = 14 : i64} {
  func.func @body(%arg0: i32, %arg1: i32, %arg2: memref<10240x128xf32, #tpu.memory_space<hbm>>, %arg3: memref<32x79x128xi32, #tpu.memory_space<hbm>>, %arg4: memref<32x79x128xi32, #tpu.memory_space<hbm>>, %arg5: memref<640x128xf32, #tpu.memory_space<hbm>>, %arg6: memref<2x10240x128xf32, #tpu.memory_space<hbm>>, %arg7: memref<79x128xi32, #tpu.memory_space<vmem>>, %arg8: memref<79x128xi32, #tpu.memory_space<vmem>>, %arg9: memref<128x128xf32, #tpu.memory_space<vmem>>, %arg10: memref<10240x128xf32, #tpu.memory_space<vmem_shared>>, %arg11: memref<!tpu.dma_semaphore, #tpu.memory_space<semaphore_mem>>) attributes {dimension_semantics = [#tpu.dimension_semantics<core_parallel>, #tpu.dimension_semantics<subcore_parallel>], iteration_bounds = array<i64: 2, 16>, scalar_prefetch = 0 : i64, scratch_operands = 5 : i64, tpu.core_type = #tpu.core_type<sc_vector_subcore>, window_params = [{transform_indices = #map}, {transform_indices = #map1}, {transform_indices = #map1}, {transform_indices = #map}, {transform_indices = #map1}]} {
    %mul3A = arith.constant 16 : i32
    %mul3A_0 = arith.muli %arg0, %mul3A : i32
    %add3A = arith.addi %mul3A_0, %arg1 : i32
    %mul3A_1 = arith.constant 640 : i32
    %mul3A_2 = arith.muli %arg1, %mul3A_1 : i32
    "tpu.region"() ({
      %run_scoped3A = tpu.sem_alloc : memref<!tpu.dma_semaphore, #tpu.memory_space<semaphore_mem>>
      %dma_start3A = arith.constant 0 : i32
      %dma_start3A_13 = tpu.memref_slice %arg10[%mul3A_2, %dma_start3A] : memref<10240x128xf32, #tpu.memory_space<vmem_shared>> -> memref<640x128xf32, #tpu.memory_space<vmem_shared>>
      tpu.enqueue_dma source(%arg5 : memref<640x128xf32, #tpu.memory_space<hbm>>) target(%dma_start3A_13 : memref<640x128xf32, #tpu.memory_space<vmem_shared>>) target_semaphore(%run_scoped3A : memref<!tpu.dma_semaphore, #tpu.memory_space<semaphore_mem>>)
      %dma_wait3A = arith.constant 0 : i32
      %dma_wait3A_14 = tpu.memref_slice %arg10[%mul3A_2, %dma_wait3A] : memref<10240x128xf32, #tpu.memory_space<vmem_shared>> -> memref<640x128xf32, #tpu.memory_space<vmem_shared>>
      tpu.wait_dma2 semaphore(%run_scoped3A : memref<!tpu.dma_semaphore, #tpu.memory_space<semaphore_mem>>) src(%arg5 : memref<640x128xf32, #tpu.memory_space<hbm>>) dst(%dma_wait3A_14 : memref<640x128xf32, #tpu.memory_space<vmem_shared>>)
      tpu.yield
    }) : () -> ()
    "tpu.region"() ({
      %run_scoped3A = tpu.sem_alloc : memref<!tpu.dma_semaphore, #tpu.memory_space<semaphore_mem>>
      %dma_start3A = arith.constant 0 : i32
      %dma_start3A_13 = arith.constant 0 : i32
      %dma_start3A_14 = tpu.memref_slice %arg3[%add3A, %dma_start3A, %dma_start3A_13] : memref<32x79x128xi32, #tpu.memory_space<hbm>> -> memref<1x79x128xi32, #tpu.memory_space<hbm>>
      %dma_start3A_15 = tpu.memref_squeeze %dma_start3A_14 : memref<1x79x128xi32, #tpu.memory_space<hbm>> -> memref<79x128xi32, #tpu.memory_space<hbm>>
      %dma_start3A_16 = arith.constant 0 : i32
      %dma_start3A_17 = arith.constant 0 : i32
      %dma_start3A_18 = tpu.memref_slice %arg3[%add3A, %dma_start3A_16, %dma_start3A_17] : memref<32x79x128xi32, #tpu.memory_space<hbm>> -> memref<1x79x128xi32, #tpu.memory_space<hbm>>
      %dma_start3A_19 = tpu.memref_squeeze %dma_start3A_18 : memref<1x79x128xi32, #tpu.memory_space<hbm>> -> memref<79x128xi32, #tpu.memory_space<hbm>>
      tpu.enqueue_dma source(%dma_start3A_19 : memref<79x128xi32, #tpu.memory_space<hbm>>) target(%arg7 : memref<79x128xi32, #tpu.memory_space<vmem>>) target_semaphore(%run_scoped3A : memref<!tpu.dma_semaphore, #tpu.memory_space<semaphore_mem>>)
      %dma_wait3A = arith.constant 0 : i32
      %dma_wait3A_20 = arith.constant 0 : i32
      %dma_wait3A_21 = tpu.memref_slice %arg3[%add3A, %dma_wait3A, %dma_wait3A_20] : memref<32x79x128xi32, #tpu.memory_space<hbm>> -> memref<1x79x128xi32, #tpu.memory_space<hbm>>
      %dma_wait3A_22 = tpu.memref_squeeze %dma_wait3A_21 : memref<1x79x128xi32, #tpu.memory_space<hbm>> -> memref<79x128xi32, #tpu.memory_space<hbm>>
      %dma_wait3A_23 = arith.constant 0 : i32
      %dma_wait3A_24 = arith.constant 0 : i32
      %dma_wait3A_25 = tpu.memref_slice %arg3[%add3A, %dma_wait3A_23, %dma_wait3A_24] : memref<32x79x128xi32, #tpu.memory_space<hbm>> -> memref<1x79x128xi32, #tpu.memory_space<hbm>>
      %dma_wait3A_26 = tpu.memref_squeeze %dma_wait3A_25 : memref<1x79x128xi32, #tpu.memory_space<hbm>> -> memref<79x128xi32, #tpu.memory_space<hbm>>
      tpu.wait_dma2 semaphore(%run_scoped3A : memref<!tpu.dma_semaphore, #tpu.memory_space<semaphore_mem>>) src(%dma_wait3A_26 : memref<79x128xi32, #tpu.memory_space<hbm>>) dst(%arg7 : memref<79x128xi32, #tpu.memory_space<vmem>>)
      tpu.yield
    }) : () -> ()
    "tpu.region"() ({
      %run_scoped3A = tpu.sem_alloc : memref<!tpu.dma_semaphore, #tpu.memory_space<semaphore_mem>>
      %dma_start3A = arith.constant 0 : i32
      %dma_start3A_13 = arith.constant 0 : i32
      %dma_start3A_14 = tpu.memref_slice %arg4[%add3A, %dma_start3A, %dma_start3A_13] : memref<32x79x128xi32, #tpu.memory_space<hbm>> -> memref<1x79x128xi32, #tpu.memory_space<hbm>>
      %dma_start3A_15 = tpu.memref_squeeze %dma_start3A_14 : memref<1x79x128xi32, #tpu.memory_space<hbm>> -> memref<79x128xi32, #tpu.memory_space<hbm>>
      %dma_start3A_16 = arith.constant 0 : i32
      %dma_start3A_17 = arith.constant 0 : i32
      %dma_start3A_18 = tpu.memref_slice %arg4[%add3A, %dma_start3A_16, %dma_start3A_17] : memref<32x79x128xi32, #tpu.memory_space<hbm>> -> memref<1x79x128xi32, #tpu.memory_space<hbm>>
      %dma_start3A_19 = tpu.memref_squeeze %dma_start3A_18 : memref<1x79x128xi32, #tpu.memory_space<hbm>> -> memref<79x128xi32, #tpu.memory_space<hbm>>
      tpu.enqueue_dma source(%dma_start3A_19 : memref<79x128xi32, #tpu.memory_space<hbm>>) target(%arg8 : memref<79x128xi32, #tpu.memory_space<vmem>>) target_semaphore(%run_scoped3A : memref<!tpu.dma_semaphore, #tpu.memory_space<semaphore_mem>>)
      %dma_wait3A = arith.constant 0 : i32
      %dma_wait3A_20 = arith.constant 0 : i32
      %dma_wait3A_21 = tpu.memref_slice %arg4[%add3A, %dma_wait3A, %dma_wait3A_20] : memref<32x79x128xi32, #tpu.memory_space<hbm>> -> memref<1x79x128xi32, #tpu.memory_space<hbm>>
      %dma_wait3A_22 = tpu.memref_squeeze %dma_wait3A_21 : memref<1x79x128xi32, #tpu.memory_space<hbm>> -> memref<79x128xi32, #tpu.memory_space<hbm>>
      %dma_wait3A_23 = arith.constant 0 : i32
      %dma_wait3A_24 = arith.constant 0 : i32
      %dma_wait3A_25 = tpu.memref_slice %arg4[%add3A, %dma_wait3A_23, %dma_wait3A_24] : memref<32x79x128xi32, #tpu.memory_space<hbm>> -> memref<1x79x128xi32, #tpu.memory_space<hbm>>
      %dma_wait3A_26 = tpu.memref_squeeze %dma_wait3A_25 : memref<1x79x128xi32, #tpu.memory_space<hbm>> -> memref<79x128xi32, #tpu.memory_space<hbm>>
      tpu.wait_dma2 semaphore(%run_scoped3A : memref<!tpu.dma_semaphore, #tpu.memory_space<semaphore_mem>>) src(%dma_wait3A_26 : memref<79x128xi32, #tpu.memory_space<hbm>>) dst(%arg8 : memref<79x128xi32, #tpu.memory_space<vmem>>)
      tpu.yield
    }) : () -> ()
    %barrier3A = arith.constant 0 : index
    tpu.barrier barrier_id(%barrier3A)
    %scan3A = arith.constant 0 : i32
    %scan3A_3 = arith.constant 0 : i32
    %scan3A_4 = arith.constant 79 : i32
    %scan3A_5 = arith.addi %scan3A_3, %scan3A_4 : i32
    %scan3A_6 = arith.constant 1 : i32
    scf.for %scan3A_13 = %scan3A_3 to %scan3A_5 step %scan3A_6  : i32 {
      %dma_start3A = arith.constant 0 : i32
      %dma_start3A_14 = tpu.memref_slice %arg7[%scan3A_13, %dma_start3A] : memref<79x128xi32, #tpu.memory_space<vmem>> -> memref<1x128xi32, #tpu.memory_space<vmem>>
      %dma_start3A_15 = tpu.memref_squeeze %dma_start3A_14 : memref<1x128xi32, #tpu.memory_space<vmem>> -> memref<128xi32, #tpu.memory_space<vmem>>
      %dma_start3A_16 = arith.constant 0 : i32
      %dma_start3A_17 = arith.constant 0 : i32
      %dma_start3A_18 = tpu.memref_slice %arg2[%dma_start3A_16, %dma_start3A_17] : memref<10240x128xf32, #tpu.memory_space<hbm>> -> memref<10240x128xf32, #tpu.memory_space<hbm>>
      tpu.enqueue_indirect_dma source(%dma_start3A_18 : memref<10240x128xf32, #tpu.memory_space<hbm>>) target(%arg9 : memref<128x128xf32, #tpu.memory_space<vmem>>) offsets(%dma_start3A_15 : memref<128xi32, #tpu.memory_space<vmem>>) semaphore(%arg11 : memref<!tpu.dma_semaphore, #tpu.memory_space<semaphore_mem>>)
      %dma_wait3A = arith.constant 0 : i32
      %dma_wait3A_19 = tpu.memref_slice %arg7[%scan3A_13, %dma_wait3A] : memref<79x128xi32, #tpu.memory_space<vmem>> -> memref<1x128xi32, #tpu.memory_space<vmem>>
      %dma_wait3A_20 = tpu.memref_squeeze %dma_wait3A_19 : memref<1x128xi32, #tpu.memory_space<vmem>> -> memref<128xi32, #tpu.memory_space<vmem>>
      %dma_wait3A_21 = arith.constant 0 : i32
      %dma_wait3A_22 = arith.constant 0 : i32
      %dma_wait3A_23 = tpu.memref_slice %arg2[%dma_wait3A_21, %dma_wait3A_22] : memref<10240x128xf32, #tpu.memory_space<hbm>> -> memref<10240x128xf32, #tpu.memory_space<hbm>>
      tpu.wait_indirect_dma semaphore(%arg11 : memref<!tpu.dma_semaphore, #tpu.memory_space<semaphore_mem>>) src(%dma_wait3A_23 : memref<10240x128xf32, #tpu.memory_space<hbm>>) dst(%arg9 : memref<128x128xf32, #tpu.memory_space<vmem>>)
      "tpu.region"() ({
        %run_scoped3A = tpu.sem_alloc : memref<!tpu.dma_semaphore, #tpu.memory_space<semaphore_mem>>
        %dma_start3A_24 = arith.constant 0 : i32
        %dma_start3A_25 = tpu.memref_slice %arg8[%scan3A_13, %dma_start3A_24] : memref<79x128xi32, #tpu.memory_space<vmem>> -> memref<1x128xi32, #tpu.memory_space<vmem>>
        %dma_start3A_26 = tpu.memref_squeeze %dma_start3A_25 : memref<1x128xi32, #tpu.memory_space<vmem>> -> memref<128xi32, #tpu.memory_space<vmem>>
        %dma_start3A_27 = arith.constant 0 : i32
        %dma_start3A_28 = arith.constant 0 : i32
        %dma_start3A_29 = tpu.memref_slice %arg10[%dma_start3A_27, %dma_start3A_28] : memref<10240x128xf32, #tpu.memory_space<vmem_shared>> -> memref<10240x128xf32, #tpu.memory_space<vmem_shared>>
        tpu.enqueue_indirect_dma source(%arg9 : memref<128x128xf32, #tpu.memory_space<vmem>>) target(%dma_start3A_29 : memref<10240x128xf32, #tpu.memory_space<vmem_shared>>) offsets(%dma_start3A_26 : memref<128xi32, #tpu.memory_space<vmem>>) semaphore(%run_scoped3A : memref<!tpu.dma_semaphore, #tpu.memory_space<semaphore_mem>>) {add = true}
        %dma_wait3A_30 = arith.constant 0 : i32
        %dma_wait3A_31 = tpu.memref_slice %arg8[%scan3A_13, %dma_wait3A_30] : memref<79x128xi32, #tpu.memory_space<vmem>> -> memref<1x128xi32, #tpu.memory_space<vmem>>
        %dma_wait3A_32 = tpu.memref_squeeze %dma_wait3A_31 : memref<1x128xi32, #tpu.memory_space<vmem>> -> memref<128xi32, #tpu.memory_space<vmem>>
        %dma_wait3A_33 = arith.constant 0 : i32
        %dma_wait3A_34 = arith.constant 0 : i32
        %dma_wait3A_35 = tpu.memref_slice %arg10[%dma_wait3A_33, %dma_wait3A_34] : memref<10240x128xf32, #tpu.memory_space<vmem_shared>> -> memref<10240x128xf32, #tpu.memory_space<vmem_shared>>
        tpu.wait_indirect_dma semaphore(%run_scoped3A : memref<!tpu.dma_semaphore, #tpu.memory_space<semaphore_mem>>) src(%arg9 : memref<128x128xf32, #tpu.memory_space<vmem>>) dst(%dma_wait3A_35 : memref<10240x128xf32, #tpu.memory_space<vmem_shared>>)
        tpu.yield
      }) : () -> ()
    }
    %scan3A_7 = arith.constant 79 : i32
    %barrier3A_8 = arith.constant 0 : index
    tpu.barrier barrier_id(%barrier3A_8)
    %mul3A_9 = arith.constant 640 : i32
    %mul3A_10 = arith.muli %arg1, %mul3A_9 : i32
    %mul3A_11 = arith.constant 640 : i32
    %mul3A_12 = arith.muli %arg1, %mul3A_11 : i32
    "tpu.region"() ({
      %run_scoped3A = tpu.sem_alloc : memref<!tpu.dma_semaphore, #tpu.memory_space<semaphore_mem>>
      %dma_start3A = arith.constant 0 : i32
      %dma_start3A_13 = tpu.memref_slice %arg6[%arg0, %mul3A_12, %dma_start3A] : memref<2x10240x128xf32, #tpu.memory_space<hbm>> -> memref<1x640x128xf32, #tpu.memory_space<hbm>>
      %dma_start3A_14 = tpu.memref_squeeze %dma_start3A_13 : memref<1x640x128xf32, #tpu.memory_space<hbm>> -> memref<640x128xf32, #tpu.memory_space<hbm>>
      %dma_start3A_15 = arith.constant 0 : i32
      %dma_start3A_16 = tpu.memref_slice %arg10[%mul3A_10, %dma_start3A_15] : memref<10240x128xf32, #tpu.memory_space<vmem_shared>> -> memref<640x128xf32, #tpu.memory_space<vmem_shared>>
      tpu.enqueue_dma source(%dma_start3A_16 : memref<640x128xf32, #tpu.memory_space<vmem_shared>>) target(%dma_start3A_14 : memref<640x128xf32, #tpu.memory_space<hbm>>) target_semaphore(%run_scoped3A : memref<!tpu.dma_semaphore, #tpu.memory_space<semaphore_mem>>)
      %dma_wait3A = arith.constant 0 : i32
      %dma_wait3A_17 = tpu.memref_slice %arg6[%arg0, %mul3A_12, %dma_wait3A] : memref<2x10240x128xf32, #tpu.memory_space<hbm>> -> memref<1x640x128xf32, #tpu.memory_space<hbm>>
      %dma_wait3A_18 = tpu.memref_squeeze %dma_wait3A_17 : memref<1x640x128xf32, #tpu.memory_space<hbm>> -> memref<640x128xf32, #tpu.memory_space<hbm>>
      %dma_wait3A_19 = arith.constant 0 : i32
      %dma_wait3A_20 = tpu.memref_slice %arg10[%mul3A_10, %dma_wait3A_19] : memref<10240x128xf32, #tpu.memory_space<vmem_shared>> -> memref<640x128xf32, #tpu.memory_space<vmem_shared>>
      tpu.wait_dma2 semaphore(%run_scoped3A : memref<!tpu.dma_semaphore, #tpu.memory_space<semaphore_mem>>) src(%dma_wait3A_20 : memref<640x128xf32, #tpu.memory_space<vmem_shared>>) dst(%dma_wait3A_18 : memref<640x128xf32, #tpu.memory_space<hbm>>)
      tpu.yield
    }) : () -> ()
    return
  }
}

#map = affine_map<(d0, d1) -> (0, 0)>
#map1 = affine_map<(d0, d1) -> (0, 0, 0)>
module attributes {stable_mosaic.version = 14 : i64} {
  func.func @body(%arg0: i32, %arg1: i32, %arg2: memref<10240x128xf32, #tpu.memory_space<hbm>>, %arg3: memref<32x79x128xi32, #tpu.memory_space<hbm>>, %arg4: memref<32x79x128xi32, #tpu.memory_space<hbm>>, %arg5: memref<640x128xf32, #tpu.memory_space<hbm>>, %arg6: memref<2x10240x128xf32, #tpu.memory_space<hbm>>, %arg7: memref<79x128xi32, #tpu.memory_space<vmem>>, %arg8: memref<79x128xi32, #tpu.memory_space<vmem>>, %arg9: memref<128x128xf32, #tpu.memory_space<vmem>>, %arg10: memref<10240x128xf32, #tpu.memory_space<vmem_shared>>, %arg11: memref<!tpu.dma_semaphore, #tpu.memory_space<semaphore_mem>>) attributes {dimension_semantics = [#tpu.dimension_semantics<core_parallel>, #tpu.dimension_semantics<subcore_parallel>], iteration_bounds = array<i64: 2, 16>, scalar_prefetch = 0 : i64, scratch_operands = 5 : i64, tpu.core_type = #tpu.core_type<sc_vector_subcore>, window_params = [{transform_indices = #map}, {transform_indices = #map1}, {transform_indices = #map1}, {transform_indices = #map}, {transform_indices = #map1}]} {
    %mul3A = arith.constant 16 : i32
    %mul3A_0 = arith.muli %arg0, %mul3A : i32
    %add3A = arith.addi %mul3A_0, %arg1 : i32
    %mul3A_1 = arith.constant 640 : i32
    %mul3A_2 = arith.muli %arg1, %mul3A_1 : i32
    "tpu.region"() ({
      %run_scoped3A = tpu.sem_alloc : memref<!tpu.dma_semaphore, #tpu.memory_space<semaphore_mem>>
      %dma_start3A = arith.constant 0 : i32
      %dma_start3A_13 = tpu.memref_slice %arg10[%mul3A_2, %dma_start3A] : memref<10240x128xf32, #tpu.memory_space<vmem_shared>> -> memref<640x128xf32, #tpu.memory_space<vmem_shared>>
      tpu.enqueue_dma source(%arg5 : memref<640x128xf32, #tpu.memory_space<hbm>>) target(%dma_start3A_13 : memref<640x128xf32, #tpu.memory_space<vmem_shared>>) target_semaphore(%run_scoped3A : memref<!tpu.dma_semaphore, #tpu.memory_space<semaphore_mem>>)
      %dma_wait3A = arith.constant 0 : i32
      %dma_wait3A_14 = tpu.memref_slice %arg10[%mul3A_2, %dma_wait3A] : memref<10240x128xf32, #tpu.memory_space<vmem_shared>> -> memref<640x128xf32, #tpu.memory_space<vmem_shared>>
      tpu.wait_dma2 semaphore(%run_scoped3A : memref<!tpu.dma_semaphore, #tpu.memory_space<semaphore_mem>>) src(%arg5 : memref<640x128xf32, #tpu.memory_space<hbm>>) dst(%dma_wait3A_14 : memref<640x128xf32, #tpu.memory_space<vmem_shared>>)
      tpu.yield
    }) : () -> ()
    "tpu.region"() ({
      %run_scoped3A = tpu.sem_alloc : memref<!tpu.dma_semaphore, #tpu.memory_space<semaphore_mem>>
      %dma_start3A = arith.constant 0 : i32
      %dma_start3A_13 = arith.constant 0 : i32
      %dma_start3A_14 = tpu.memref_slice %arg3[%add3A, %dma_start3A, %dma_start3A_13] : memref<32x79x128xi32, #tpu.memory_space<hbm>> -> memref<1x79x128xi32, #tpu.memory_space<hbm>>
      %dma_start3A_15 = tpu.memref_squeeze %dma_start3A_14 : memref<1x79x128xi32, #tpu.memory_space<hbm>> -> memref<79x128xi32, #tpu.memory_space<hbm>>
      %dma_start3A_16 = arith.constant 0 : i32
      %dma_start3A_17 = arith.constant 0 : i32
      %dma_start3A_18 = tpu.memref_slice %arg3[%add3A, %dma_start3A_16, %dma_start3A_17] : memref<32x79x128xi32, #tpu.memory_space<hbm>> -> memref<1x79x128xi32, #tpu.memory_space<hbm>>
      %dma_start3A_19 = tpu.memref_squeeze %dma_start3A_18 : memref<1x79x128xi32, #tpu.memory_space<hbm>> -> memref<79x128xi32, #tpu.memory_space<hbm>>
      tpu.enqueue_dma source(%dma_start3A_19 : memref<79x128xi32, #tpu.memory_space<hbm>>) target(%arg7 : memref<79x128xi32, #tpu.memory_space<vmem>>) target_semaphore(%run_scoped3A : memref<!tpu.dma_semaphore, #tpu.memory_space<semaphore_mem>>)
      %dma_wait3A = arith.constant 0 : i32
      %dma_wait3A_20 = arith.constant 0 : i32
      %dma_wait3A_21 = tpu.memref_slice %arg3[%add3A, %dma_wait3A, %dma_wait3A_20] : memref<32x79x128xi32, #tpu.memory_space<hbm>> -> memref<1x79x128xi32, #tpu.memory_space<hbm>>
      %dma_wait3A_22 = tpu.memref_squeeze %dma_wait3A_21 : memref<1x79x128xi32, #tpu.memory_space<hbm>> -> memref<79x128xi32, #tpu.memory_space<hbm>>
      %dma_wait3A_23 = arith.constant 0 : i32
      %dma_wait3A_24 = arith.constant 0 : i32
      %dma_wait3A_25 = tpu.memref_slice %arg3[%add3A, %dma_wait3A_23, %dma_wait3A_24] : memref<32x79x128xi32, #tpu.memory_space<hbm>> -> memref<1x79x128xi32, #tpu.memory_space<hbm>>
      %dma_wait3A_26 = tpu.memref_squeeze %dma_wait3A_25 : memref<1x79x128xi32, #tpu.memory_space<hbm>> -> memref<79x128xi32, #tpu.memory_space<hbm>>
      tpu.wait_dma2 semaphore(%run_scoped3A : memref<!tpu.dma_semaphore, #tpu.memory_space<semaphore_mem>>) src(%dma_wait3A_26 : memref<79x128xi32, #tpu.memory_space<hbm>>) dst(%arg7 : memref<79x128xi32, #tpu.memory_space<vmem>>)
      tpu.yield
    }) : () -> ()
    "tpu.region"() ({
      %run_scoped3A = tpu.sem_alloc : memref<!tpu.dma_semaphore, #tpu.memory_space<semaphore_mem>>
      %dma_start3A = arith.constant 0 : i32
      %dma_start3A_13 = arith.constant 0 : i32
      %dma_start3A_14 = tpu.memref_slice %arg4[%add3A, %dma_start3A, %dma_start3A_13] : memref<32x79x128xi32, #tpu.memory_space<hbm>> -> memref<1x79x128xi32, #tpu.memory_space<hbm>>
      %dma_start3A_15 = tpu.memref_squeeze %dma_start3A_14 : memref<1x79x128xi32, #tpu.memory_space<hbm>> -> memref<79x128xi32, #tpu.memory_space<hbm>>
      %dma_start3A_16 = arith.constant 0 : i32
      %dma_start3A_17 = arith.constant 0 : i32
      %dma_start3A_18 = tpu.memref_slice %arg4[%add3A, %dma_start3A_16, %dma_start3A_17] : memref<32x79x128xi32, #tpu.memory_space<hbm>> -> memref<1x79x128xi32, #tpu.memory_space<hbm>>
      %dma_start3A_19 = tpu.memref_squeeze %dma_start3A_18 : memref<1x79x128xi32, #tpu.memory_space<hbm>> -> memref<79x128xi32, #tpu.memory_space<hbm>>
      tpu.enqueue_dma source(%dma_start3A_19 : memref<79x128xi32, #tpu.memory_space<hbm>>) target(%arg8 : memref<79x128xi32, #tpu.memory_space<vmem>>) target_semaphore(%run_scoped3A : memref<!tpu.dma_semaphore, #tpu.memory_space<semaphore_mem>>)
      %dma_wait3A = arith.constant 0 : i32
      %dma_wait3A_20 = arith.constant 0 : i32
      %dma_wait3A_21 = tpu.memref_slice %arg4[%add3A, %dma_wait3A, %dma_wait3A_20] : memref<32x79x128xi32, #tpu.memory_space<hbm>> -> memref<1x79x128xi32, #tpu.memory_space<hbm>>
      %dma_wait3A_22 = tpu.memref_squeeze %dma_wait3A_21 : memref<1x79x128xi32, #tpu.memory_space<hbm>> -> memref<79x128xi32, #tpu.memory_space<hbm>>
      %dma_wait3A_23 = arith.constant 0 : i32
      %dma_wait3A_24 = arith.constant 0 : i32
      %dma_wait3A_25 = tpu.memref_slice %arg4[%add3A, %dma_wait3A_23, %dma_wait3A_24] : memref<32x79x128xi32, #tpu.memory_space<hbm>> -> memref<1x79x128xi32, #tpu.memory_space<hbm>>
      %dma_wait3A_26 = tpu.memref_squeeze %dma_wait3A_25 : memref<1x79x128xi32, #tpu.memory_space<hbm>> -> memref<79x128xi32, #tpu.memory_space<hbm>>
      tpu.wait_dma2 semaphore(%run_scoped3A : memref<!tpu.dma_semaphore, #tpu.memory_space<semaphore_mem>>) src(%dma_wait3A_26 : memref<79x128xi32, #tpu.memory_space<hbm>>) dst(%arg8 : memref<79x128xi32, #tpu.memory_space<vmem>>)
      tpu.yield
    }) : () -> ()
    %barrier3A = arith.constant 0 : index
    tpu.barrier barrier_id(%barrier3A)
    %scan3A = arith.constant 0 : i32
    %scan3A_3 = arith.constant 0 : i32
    %scan3A_4 = arith.constant 79 : i32
    %scan3A_5 = arith.addi %scan3A_3, %scan3A_4 : i32
    %scan3A_6 = arith.constant 1 : i32
    scf.for %scan3A_13 = %scan3A_3 to %scan3A_5 step %scan3A_6  : i32 {
      %dma_start3A = arith.constant 0 : i32
      %dma_start3A_14 = tpu.memref_slice %arg7[%scan3A_13, %dma_start3A] : memref<79x128xi32, #tpu.memory_space<vmem>> -> memref<1x128xi32, #tpu.memory_space<vmem>>
      %dma_start3A_15 = tpu.memref_squeeze %dma_start3A_14 : memref<1x128xi32, #tpu.memory_space<vmem>> -> memref<128xi32, #tpu.memory_space<vmem>>
      %dma_start3A_16 = arith.constant 0 : i32
      %dma_start3A_17 = arith.constant 0 : i32
      %dma_start3A_18 = tpu.memref_slice %arg2[%dma_start3A_16, %dma_start3A_17] : memref<10240x128xf32, #tpu.memory_space<hbm>> -> memref<10240x128xf32, #tpu.memory_space<hbm>>
      tpu.enqueue_indirect_dma source(%dma_start3A_18 : memref<10240x128xf32, #tpu.memory_space<hbm>>) target(%arg9 : memref<128x128xf32, #tpu.memory_space<vmem>>) offsets(%dma_start3A_15 : memref<128xi32, #tpu.memory_space<vmem>>) semaphore(%arg11 : memref<!tpu.dma_semaphore, #tpu.memory_space<semaphore_mem>>)
      %dma_wait3A = arith.constant 0 : i32
      %dma_wait3A_19 = tpu.memref_slice %arg7[%scan3A_13, %dma_wait3A] : memref<79x128xi32, #tpu.memory_space<vmem>> -> memref<1x128xi32, #tpu.memory_space<vmem>>
      %dma_wait3A_20 = tpu.memref_squeeze %dma_wait3A_19 : memref<1x128xi32, #tpu.memory_space<vmem>> -> memref<128xi32, #tpu.memory_space<vmem>>
      %dma_wait3A_21 = arith.constant 0 : i32
      %dma_wait3A_22 = arith.constant 0 : i32
      %dma_wait3A_23 = tpu.memref_slice %arg2[%dma_wait3A_21, %dma_wait3A_22] : memref<10240x128xf32, #tpu.memory_space<hbm>> -> memref<10240x128xf32, #tpu.memory_space<hbm>>
      tpu.wait_indirect_dma semaphore(%arg11 : memref<!tpu.dma_semaphore, #tpu.memory_space<semaphore_mem>>) src(%dma_wait3A_23 : memref<10240x128xf32, #tpu.memory_space<hbm>>) dst(%arg9 : memref<128x128xf32, #tpu.memory_space<vmem>>)
      "tpu.region"() ({
        %run_scoped3A = tpu.sem_alloc : memref<!tpu.dma_semaphore, #tpu.memory_space<semaphore_mem>>
        %dma_start3A_24 = arith.constant 0 : i32
        %dma_start3A_25 = tpu.memref_slice %arg8[%scan3A_13, %dma_start3A_24] : memref<79x128xi32, #tpu.memory_space<vmem>> -> memref<1x128xi32, #tpu.memory_space<vmem>>
        %dma_start3A_26 = tpu.memref_squeeze %dma_start3A_25 : memref<1x128xi32, #tpu.memory_space<vmem>> -> memref<128xi32, #tpu.memory_space<vmem>>
        %dma_start3A_27 = arith.constant 0 : i32
        %dma_start3A_28 = arith.constant 0 : i32
        %dma_start3A_29 = tpu.memref_slice %arg10[%dma_start3A_27, %dma_start3A_28] : memref<10240x128xf32, #tpu.memory_space<vmem_shared>> -> memref<10240x128xf32, #tpu.memory_space<vmem_shared>>
        tpu.enqueue_indirect_dma source(%arg9 : memref<128x128xf32, #tpu.memory_space<vmem>>) target(%dma_start3A_29 : memref<10240x128xf32, #tpu.memory_space<vmem_shared>>) offsets(%dma_start3A_26 : memref<128xi32, #tpu.memory_space<vmem>>) semaphore(%run_scoped3A : memref<!tpu.dma_semaphore, #tpu.memory_space<semaphore_mem>>) {add = true}
        %dma_wait3A_30 = arith.constant 0 : i32
        %dma_wait3A_31 = tpu.memref_slice %arg8[%scan3A_13, %dma_wait3A_30] : memref<79x128xi32, #tpu.memory_space<vmem>> -> memref<1x128xi32, #tpu.memory_space<vmem>>
        %dma_wait3A_32 = tpu.memref_squeeze %dma_wait3A_31 : memref<1x128xi32, #tpu.memory_space<vmem>> -> memref<128xi32, #tpu.memory_space<vmem>>
        %dma_wait3A_33 = arith.constant 0 : i32
        %dma_wait3A_34 = arith.constant 0 : i32
        %dma_wait3A_35 = tpu.memref_slice %arg10[%dma_wait3A_33, %dma_wait3A_34] : memref<10240x128xf32, #tpu.memory_space<vmem_shared>> -> memref<10240x128xf32, #tpu.memory_space<vmem_shared>>
        tpu.wait_indirect_dma semaphore(%run_scoped3A : memref<!tpu.dma_semaphore, #tpu.memory_space<semaphore_mem>>) src(%arg9 : memref<128x128xf32, #tpu.memory_space<vmem>>) dst(%dma_wait3A_35 : memref<10240x128xf32, #tpu.memory_space<vmem_shared>>)
        tpu.yield
      }) : () -> ()
    }
    %scan3A_7 = arith.constant 79 : i32
    %barrier3A_8 = arith.constant 0 : index
    tpu.barrier barrier_id(%barrier3A_8)
    %mul3A_9 = arith.constant 640 : i32
    %mul3A_10 = arith.muli %arg1, %mul3A_9 : i32
    %mul3A_11 = arith.constant 640 : i32
    %mul3A_12 = arith.muli %arg1, %mul3A_11 : i32
    "tpu.region"() ({
      %run_scoped3A = tpu.sem_alloc : memref<!tpu.dma_semaphore, #tpu.memory_space<semaphore_mem>>
      %dma_start3A = arith.constant 0 : i32
      %dma_start3A_13 = tpu.memref_slice %arg6[%arg0, %mul3A_12, %dma_start3A] : memref<2x10240x128xf32, #tpu.memory_space<hbm>> -> memref<1x640x128xf32, #tpu.memory_space<hbm>>
      %dma_start3A_14 = tpu.memref_squeeze %dma_start3A_13 : memref<1x640x128xf32, #tpu.memory_space<hbm>> -> memref<640x128xf32, #tpu.memory_space<hbm>>
      %dma_start3A_15 = arith.constant 0 : i32
      %dma_start3A_16 = tpu.memref_slice %arg10[%mul3A_10, %dma_start3A_15] : memref<10240x128xf32, #tpu.memory_space<vmem_shared>> -> memref<640x128xf32, #tpu.memory_space<vmem_shared>>
      tpu.enqueue_dma source(%dma_start3A_16 : memref<640x128xf32, #tpu.memory_space<vmem_shared>>) target(%dma_start3A_14 : memref<640x128xf32, #tpu.memory_space<hbm>>) target_semaphore(%run_scoped3A : memref<!tpu.dma_semaphore, #tpu.memory_space<semaphore_mem>>)
      %dma_wait3A = arith.constant 0 : i32
      %dma_wait3A_17 = tpu.memref_slice %arg6[%arg0, %mul3A_12, %dma_wait3A] : memref<2x10240x128xf32, #tpu.memory_space<hbm>> -> memref<1x640x128xf32, #tpu.memory_space<hbm>>
      %dma_wait3A_18 = tpu.memref_squeeze %dma_wait3A_17 : memref<1x640x128xf32, #tpu.memory_space<hbm>> -> memref<640x128xf32, #tpu.memory_space<hbm>>
      %dma_wait3A_19 = arith.constant 0 : i32
      %dma_wait3A_20 = tpu.memref_slice %arg10[%mul3A_10, %dma_wait3A_19] : memref<10240x128xf32, #tpu.memory_space<vmem_shared>> -> memref<640x128xf32, #tpu.memory_space<vmem_shared>>
      tpu.wait_dma2 semaphore(%run_scoped3A : memref<!tpu.dma_semaphore, #tpu.memory_space<semaphore_mem>>) src(%dma_wait3A_20 : memref<640x128xf32, #tpu.memory_space<vmem_shared>>) dst(%dma_wait3A_18 : memref<640x128xf32, #tpu.memory_space<hbm>>)
      tpu.yield
    }) : () -> ()
    return
  }
}

module attributes {stable_mosaic.version = 14 : i64} {
  func.func @_deg_body(%arg0: i32, %arg1: memref<1x3200xi32, #tpu.memory_space<vmem>>, %arg2: memref<3200x1xi32, #tpu.memory_space<vmem>>, %arg3: memref<80x128xf32, #tpu.memory_space<vmem>>) attributes {dimension_semantics = [#tpu.dimension_semantics<arbitrary>], iteration_bounds = array<i64: 100>, scalar_prefetch = 0 : i64, scratch_operands = 0 : i64, tpu.core_type = #tpu.core_type<tc>, window_params = [{transform_indices = @transform_0, window_bounds = array<i64: 1, 3200>}, {transform_indices = @transform_1, window_bounds = array<i64: 3200, 1>}, {pipeline_mode = #tpu.pipeline_mode<synchronous>, transform_indices = @transform_2, window_bounds = array<i64: 80, 128>}]} {
    %get3A = arith.constant 0 : index
    %get3A_0 = arith.constant 0 : index
    %get3A_1 = vector.load %arg1[%get3A, %get3A_0] : memref<1x3200xi32, #tpu.memory_space<vmem>>, vector<1x3200xi32>
    %broadcast_in_dim3A = vector.shape_cast %get3A_1 : vector<1x3200xi32> to vector<1x3200xi32>
    %broadcast_in_dim3A_2 = vector.broadcast %broadcast_in_dim3A : vector<1x3200xi32> to vector<80x3200xi32>
    %iota3A = tpu.iota {dimensions = array<i32: 0>} : vector<80x3200xi32>
    %eq3A = arith.cmpi eq, %broadcast_in_dim3A_2, %iota3A : vector<80x3200xi32>
    %get3A_3 = arith.constant 0 : index
    %get3A_4 = arith.constant 0 : index
    %get3A_5 = vector.load %arg2[%get3A_3, %get3A_4] : memref<3200x1xi32, #tpu.memory_space<vmem>>, vector<3200x1xi32>
    %broadcast_in_dim3A_6 = vector.shape_cast %get3A_5 : vector<3200x1xi32> to vector<3200x1xi32>
    %broadcast_in_dim3A_7 = vector.broadcast %broadcast_in_dim3A_6 : vector<3200x1xi32> to vector<3200x128xi32>
    %iota3A_8 = tpu.iota {dimensions = array<i32: 1>} : vector<3200x128xi32>
    %eq3A_9 = arith.cmpi eq, %broadcast_in_dim3A_7, %iota3A_8 : vector<3200x128xi32>
    %convert_element_type3A = arith.extui %eq3A : vector<80x3200xi1> to vector<80x3200xi32>
    %convert_element_type3A_10 = arith.sitofp %convert_element_type3A : vector<80x3200xi32> to vector<80x3200xf32>
    %convert_element_type3A_11 = arith.truncf %convert_element_type3A_10 : vector<80x3200xf32> to vector<80x3200xbf16>
    %convert_element_type3A_12 = arith.extui %eq3A_9 : vector<3200x128xi1> to vector<3200x128xi32>
    %convert_element_type3A_13 = arith.sitofp %convert_element_type3A_12 : vector<3200x128xi32> to vector<3200x128xf32>
    %convert_element_type3A_14 = arith.truncf %convert_element_type3A_13 : vector<3200x128xf32> to vector<3200x128xbf16>
    %dot_general3A = arith.constant dense<0.000000e+00> : vector<80x128xf32>
    %dot_general3A_15 = tpu.matmul %convert_element_type3A_11, %convert_element_type3A_14, %dot_general3A {dimension_numbers = #tpu.dot_dimension_numbers<[1], [0], [0], [1], [0, 0, 1, 1], [], []>, transpose_lhs_hint = false} : vector<80x3200xbf16>, vector<3200x128xbf16>, vector<80x128xf32> -> vector<80x128xf32>
    %eq3A_16 = arith.constant 0 : i32
    %eq3A_17 = arith.cmpi eq, %arg0, %eq3A_16 : i32
    %convert_element_type3A_18 = arith.extui %eq3A_17 : i1 to i32
    %cond3A = arith.constant 0 : i32
    %cond3A_19 = arith.cmpi ne, %convert_element_type3A_18, %cond3A : i32
    scf.if %cond3A_19 {
      %broadcast_in_dim3A_25 = arith.constant 0.000000e+00 : f32
      %broadcast_in_dim3A_26 = vector.broadcast %broadcast_in_dim3A_25 : f32 to vector<80x128xf32>
      %swap3A_27 = arith.constant 0 : index
      %swap3A_28 = arith.constant 0 : index
      %swap3A_29 = vector.load %arg3[%swap3A_27, %swap3A_28] : memref<80x128xf32, #tpu.memory_space<vmem>>, vector<80x128xf32>
      tpu.vector_store %arg3[%swap3A_27, %swap3A_28], %broadcast_in_dim3A_26 {strides = array<i32>} : memref<80x128xf32, #tpu.memory_space<vmem>>, vector<80x128xf32>,
    } else {
    }
    %get3A_20 = arith.constant 0 : index
    %get3A_21 = arith.constant 0 : index
    %get3A_22 = vector.load %arg3[%get3A_20, %get3A_21] : memref<80x128xf32, #tpu.memory_space<vmem>>, vector<80x128xf32>
    %add3A = arith.addf %get3A_22, %dot_general3A_15 : vector<80x128xf32>
    %swap3A = arith.constant 0 : index
    %swap3A_23 = arith.constant 0 : index
    %swap3A_24 = vector.load %arg3[%swap3A, %swap3A_23] : memref<80x128xf32, #tpu.memory_space<vmem>>, vector<80x128xf32>
    tpu.vector_store %arg3[%swap3A, %swap3A_23], %add3A {strides = array<i32>} : memref<80x128xf32, #tpu.memory_space<vmem>>, vector<80x128xf32>,
    return
  }
  func.func @transform_0(%arg0: i32) -> (i32, i32) {
    %c0_i32 = arith.constant 0 : i32
    %c0_i32_0 = arith.constant 0 : i32
    return %c0_i32, %arg0 : i32, i32
  }
  func.func @transform_1(%arg0: i32) -> (i32, i32) {
    %c0_i32 = arith.constant 0 : i32
    %c0_i32_0 = arith.constant 0 : i32
    return %arg0, %c0_i32 : i32, i32
  }
  func.func @transform_2(%arg0: i32) -> (i32, i32) {
    %c0_i32 = arith.constant 0 : i32
    %c0_i32_0 = arith.constant 0 : i32
    %c0_i32_1 = arith.constant 0 : i32
    return %c0_i32, %c0_i32_0 : i32, i32
  }
}

module attributes {stable_mosaic.version = 14 : i64} {
  func.func @_tca_body(%arg0: i32, %arg1: memref<2048x128xf32, #tpu.memory_space<vmem>>, %arg2: memref<2048x1xf32, #tpu.memory_space<vmem>>, %arg3: memref<2048x128xf32, #tpu.memory_space<vmem>>) attributes {dimension_semantics = [#tpu.dimension_semantics<arbitrary>], iteration_bounds = array<i64: 5>, scalar_prefetch = 0 : i64, scratch_operands = 0 : i64, tpu.core_type = #tpu.core_type<tc>, window_params = [{transform_indices = @transform_0, window_bounds = array<i64: 2048, 128>}, {transform_indices = @transform_1, window_bounds = array<i64: 2048, 1>}, {transform_indices = @transform_2, window_bounds = array<i64: 2048, 128>}]} {
    %get3A = arith.constant 0 : index
    %get3A_0 = arith.constant 0 : index
    %get3A_1 = vector.load %arg1[%get3A, %get3A_0] : memref<2048x128xf32, #tpu.memory_space<vmem>>, vector<2048x128xf32>
    %get3A_2 = arith.constant 0 : index
    %get3A_3 = arith.constant 0 : index
    %get3A_4 = vector.load %arg2[%get3A_2, %get3A_3] : memref<2048x1xf32, #tpu.memory_space<vmem>>, vector<2048x1xf32>
    %add3A = arith.constant 1.000000e+00 : f32
    %add3A_5 = vector.broadcast %add3A : f32 to vector<2048x1xf32>
    %add3A_6 = arith.addf %get3A_4, %add3A_5 : vector<2048x1xf32>
    %rsqrt3A = math.rsqrt %add3A_6 : vector<2048x1xf32>
    %mul3A = vector.broadcast %rsqrt3A : vector<2048x1xf32> to vector<2048x128xf32>
    %mul3A_7 = arith.mulf %get3A_1, %mul3A : vector<2048x128xf32>
    %swap3A = arith.constant 0 : index
    %swap3A_8 = arith.constant 0 : index
    %swap3A_9 = vector.load %arg3[%swap3A, %swap3A_8] : memref<2048x128xf32, #tpu.memory_space<vmem>>, vector<2048x128xf32>
    tpu.vector_store %arg3[%swap3A, %swap3A_8], %mul3A_7 {strides = array<i32>} : memref<2048x128xf32, #tpu.memory_space<vmem>>, vector<2048x128xf32>,
    return
  }
  func.func @transform_0(%arg0: i32) -> (i32, i32) {
    %c0_i32 = arith.constant 0 : i32
    %c0_i32_0 = arith.constant 0 : i32
    return %arg0, %c0_i32 : i32, i32
  }
  func.func @transform_1(%arg0: i32) -> (i32, i32) {
    %c0_i32 = arith.constant 0 : i32
    %c0_i32_0 = arith.constant 0 : i32
    return %arg0, %c0_i32 : i32, i32
  }
  func.func @transform_2(%arg0: i32) -> (i32, i32) {
    %c0_i32 = arith.constant 0 : i32
    %c0_i32_0 = arith.constant 0 : i32
    return %arg0, %c0_i32 : i32, i32
  }
}

module attributes {stable_mosaic.version = 14 : i64} {
  func.func @_tcb_body(%arg0: i32, %arg1: memref<2x2048x128xf32, #tpu.memory_space<vmem>>, %arg2: memref<2048x128xf32, #tpu.memory_space<vmem>>, %arg3: memref<2048x1xf32, #tpu.memory_space<vmem>>, %arg4: memref<128x128xf32, #tpu.memory_space<vmem>>, %arg5: memref<1x128xf32, #tpu.memory_space<vmem>>, %arg6: memref<1x128xf32, #tpu.memory_space<vmem>>, %arg7: memref<1x128xf32, #tpu.memory_space<vmem>>, %arg8: memref<2048x128xf32, #tpu.memory_space<vmem>>) attributes {dimension_semantics = [#tpu.dimension_semantics<arbitrary>], iteration_bounds = array<i64: 5>, scalar_prefetch = 0 : i64, scratch_operands = 0 : i64, tpu.core_type = #tpu.core_type<tc>, window_params = [{transform_indices = @transform_0, window_bounds = array<i64: 2, 2048, 128>}, {transform_indices = @transform_1, window_bounds = array<i64: 2048, 128>}, {transform_indices = @transform_2, window_bounds = array<i64: 2048, 1>}, {pipeline_mode = #tpu.pipeline_mode<synchronous>, transform_indices = @transform_3, window_bounds = array<i64: 128, 128>}, {pipeline_mode = #tpu.pipeline_mode<synchronous>, transform_indices = @transform_4, window_bounds = array<i64: 1, 128>}, {pipeline_mode = #tpu.pipeline_mode<synchronous>, transform_indices = @transform_5, window_bounds = array<i64: 1, 128>}, {pipeline_mode = #tpu.pipeline_mode<synchronous>, transform_indices = @transform_6, window_bounds = array<i64: 1, 128>}, {transform_indices = @transform_7, window_bounds = array<i64: 2048, 128>}]} {
    %get3A = arith.constant 0 : index
    %get3A_0 = arith.constant 0 : index
    %get3A_1 = vector.load %arg3[%get3A, %get3A_0] : memref<2048x1xf32, #tpu.memory_space<vmem>>, vector<2048x1xf32>
    %add3A = arith.constant 1.000000e+00 : f32
    %add3A_2 = vector.broadcast %add3A : f32 to vector<2048x1xf32>
    %add3A_3 = arith.addf %get3A_1, %add3A_2 : vector<2048x1xf32>
    %rsqrt3A = math.rsqrt %add3A_3 : vector<2048x1xf32>
    %get3A_4 = arith.constant 0 : index
    %get3A_5 = arith.constant 0 : index
    %get3A_6 = arith.constant 0 : index
    %get3A_7 = vector.load %arg1[%get3A_4, %get3A_5, %get3A_6] : memref<2x2048x128xf32, #tpu.memory_space<vmem>>, vector<1x2048x128xf32>
    %get3A_8 = vector.shape_cast %get3A_7 : vector<1x2048x128xf32> to vector<2048x128xf32>
    %get3A_9 = arith.constant 1 : index
    %get3A_10 = arith.constant 0 : index
    %get3A_11 = arith.constant 0 : index
    %get3A_12 = vector.load %arg1[%get3A_9, %get3A_10, %get3A_11] : memref<2x2048x128xf32, #tpu.memory_space<vmem>>, vector<1x2048x128xf32>
    %get3A_13 = vector.shape_cast %get3A_12 : vector<1x2048x128xf32> to vector<2048x128xf32>
    %add3A_14 = arith.addf %get3A_8, %get3A_13 : vector<2048x128xf32>
    %get3A_15 = arith.constant 0 : index
    %get3A_16 = arith.constant 0 : index
    %get3A_17 = vector.load %arg2[%get3A_15, %get3A_16] : memref<2048x128xf32, #tpu.memory_space<vmem>>, vector<2048x128xf32>
    %add3A_18 = arith.addf %add3A_14, %get3A_17 : vector<2048x128xf32>
    %mul3A = vector.broadcast %rsqrt3A : vector<2048x1xf32> to vector<2048x128xf32>
    %mul3A_19 = arith.mulf %add3A_18, %mul3A : vector<2048x128xf32>
    %get3A_20 = arith.constant 0 : index
    %get3A_21 = arith.constant 0 : index
    %get3A_22 = vector.load %arg4[%get3A_20, %get3A_21] : memref<128x128xf32, #tpu.memory_space<vmem>>, vector<128x128xf32>
    %dot_general3A = arith.constant dense<0.000000e+00> : vector<2048x128xf32>
    %dot_general3A_23 = tpu.matmul %mul3A_19, %get3A_22, %dot_general3A {dimension_numbers = #tpu.dot_dimension_numbers<[1], [0], [0], [1], [0, 0, 1, 1], [], []>, transpose_lhs_hint = false} : vector<2048x128xf32>, vector<128x128xf32>, vector<2048x128xf32> -> vector<2048x128xf32>
    %get3A_24 = arith.constant 0 : index
    %get3A_25 = arith.constant 0 : index
    %get3A_26 = vector.load %arg5[%get3A_24, %get3A_25] : memref<1x128xf32, #tpu.memory_space<vmem>>, vector<1x128xf32>
    %add3A_27 = vector.broadcast %get3A_26 : vector<1x128xf32> to vector<2048x128xf32>
    %add3A_28 = arith.addf %dot_general3A_23, %add3A_27 : vector<2048x128xf32>
    %max3A = arith.constant 0.000000e+00 : f32
    %max3A_29 = vector.broadcast %max3A : f32 to vector<2048x128xf32>
    %max3A_30 = arith.maximumf %add3A_28, %max3A_29 : vector<2048x128xf32>
    %get3A_31 = arith.constant 0 : index
    %get3A_32 = arith.constant 0 : index
    %get3A_33 = vector.load %arg6[%get3A_31, %get3A_32] : memref<1x128xf32, #tpu.memory_space<vmem>>, vector<1x128xf32>
    %mul3A_34 = vector.broadcast %get3A_33 : vector<1x128xf32> to vector<2048x128xf32>
    %mul3A_35 = arith.mulf %max3A_30, %mul3A_34 : vector<2048x128xf32>
    %get3A_36 = arith.constant 0 : index
    %get3A_37 = arith.constant 0 : index
    %get3A_38 = vector.load %arg7[%get3A_36, %get3A_37] : memref<1x128xf32, #tpu.memory_space<vmem>>, vector<1x128xf32>
    %add3A_39 = vector.broadcast %get3A_38 : vector<1x128xf32> to vector<2048x128xf32>
    %add3A_40 = arith.addf %mul3A_35, %add3A_39 : vector<2048x128xf32>
    %mul3A_41 = vector.broadcast %rsqrt3A : vector<2048x1xf32> to vector<2048x128xf32>
    %mul3A_42 = arith.mulf %add3A_40, %mul3A_41 : vector<2048x128xf32>
    %swap3A = arith.constant 0 : index
    %swap3A_43 = arith.constant 0 : index
    %swap3A_44 = vector.load %arg8[%swap3A, %swap3A_43] : memref<2048x128xf32, #tpu.memory_space<vmem>>, vector<2048x128xf32>
    tpu.vector_store %arg8[%swap3A, %swap3A_43], %mul3A_42 {strides = array<i32>} : memref<2048x128xf32, #tpu.memory_space<vmem>>, vector<2048x128xf32>,
    return
  }
  func.func @transform_0(%arg0: i32) -> (i32, i32, i32) {
    %c0_i32 = arith.constant 0 : i32
    %c0_i32_0 = arith.constant 0 : i32
    %c0_i32_1 = arith.constant 0 : i32
    return %c0_i32, %arg0, %c0_i32_0 : i32, i32, i32
  }
  func.func @transform_1(%arg0: i32) -> (i32, i32) {
    %c0_i32 = arith.constant 0 : i32
    %c0_i32_0 = arith.constant 0 : i32
    return %arg0, %c0_i32 : i32, i32
  }
  func.func @transform_2(%arg0: i32) -> (i32, i32) {
    %c0_i32 = arith.constant 0 : i32
    %c0_i32_0 = arith.constant 0 : i32
    return %arg0, %c0_i32 : i32, i32
  }
  func.func @transform_3(%arg0: i32) -> (i32, i32) {
    %c0_i32 = arith.constant 0 : i32
    %c0_i32_0 = arith.constant 0 : i32
    %c0_i32_1 = arith.constant 0 : i32
    return %c0_i32, %c0_i32_0 : i32, i32
  }
  func.func @transform_4(%arg0: i32) -> (i32, i32) {
    %c0_i32 = arith.constant 0 : i32
    %c0_i32_0 = arith.constant 0 : i32
    %c0_i32_1 = arith.constant 0 : i32
    return %c0_i32, %c0_i32_0 : i32, i32
  }
  func.func @transform_5(%arg0: i32) -> (i32, i32) {
    %c0_i32 = arith.constant 0 : i32
    %c0_i32_0 = arith.constant 0 : i32
    %c0_i32_1 = arith.constant 0 : i32
    return %c0_i32, %c0_i32_0 : i32, i32
  }
  func.func @transform_6(%arg0: i32) -> (i32, i32) {
    %c0_i32 = arith.constant 0 : i32
    %c0_i32_0 = arith.constant 0 : i32
    %c0_i32_1 = arith.constant 0 : i32
    return %c0_i32, %c0_i32_0 : i32, i32
  }
  func.func @transform_7(%arg0: i32) -> (i32, i32) {
    %c0_i32 = arith.constant 0 : i32
    %c0_i32_0 = arith.constant 0 : i32
    return %arg0, %c0_i32 : i32, i32
  }
}

module attributes {stable_mosaic.version = 14 : i64} {
  func.func @_tcc_body(%arg0: i32, %arg1: memref<2x2048x128xf32, #tpu.memory_space<vmem>>, %arg2: memref<2048x128xf32, #tpu.memory_space<vmem>>, %arg3: memref<2048x1xf32, #tpu.memory_space<vmem>>, %arg4: memref<128x16xf32, #tpu.memory_space<vmem>>, %arg5: memref<1x16xf32, #tpu.memory_space<vmem>>, %arg6: memref<2048x16xf32, #tpu.memory_space<vmem>>) attributes {dimension_semantics = [#tpu.dimension_semantics<arbitrary>], iteration_bounds = array<i64: 5>, scalar_prefetch = 0 : i64, scratch_operands = 0 : i64, tpu.core_type = #tpu.core_type<tc>, window_params = [{transform_indices = @transform_0, window_bounds = array<i64: 2, 2048, 128>}, {transform_indices = @transform_1, window_bounds = array<i64: 2048, 128>}, {transform_indices = @transform_2, window_bounds = array<i64: 2048, 1>}, {pipeline_mode = #tpu.pipeline_mode<synchronous>, transform_indices = @transform_3, window_bounds = array<i64: 128, 16>}, {pipeline_mode = #tpu.pipeline_mode<synchronous>, transform_indices = @transform_4, window_bounds = array<i64: 1, 16>}, {transform_indices = @transform_5, window_bounds = array<i64: 2048, 16>}]} {
    %get3A = arith.constant 0 : index
    %get3A_0 = arith.constant 0 : index
    %get3A_1 = vector.load %arg3[%get3A, %get3A_0] : memref<2048x1xf32, #tpu.memory_space<vmem>>, vector<2048x1xf32>
    %add3A = arith.constant 1.000000e+00 : f32
    %add3A_2 = vector.broadcast %add3A : f32 to vector<2048x1xf32>
    %add3A_3 = arith.addf %get3A_1, %add3A_2 : vector<2048x1xf32>
    %rsqrt3A = math.rsqrt %add3A_3 : vector<2048x1xf32>
    %get3A_4 = arith.constant 0 : index
    %get3A_5 = arith.constant 0 : index
    %get3A_6 = arith.constant 0 : index
    %get3A_7 = vector.load %arg1[%get3A_4, %get3A_5, %get3A_6] : memref<2x2048x128xf32, #tpu.memory_space<vmem>>, vector<1x2048x128xf32>
    %get3A_8 = vector.shape_cast %get3A_7 : vector<1x2048x128xf32> to vector<2048x128xf32>
    %get3A_9 = arith.constant 1 : index
    %get3A_10 = arith.constant 0 : index
    %get3A_11 = arith.constant 0 : index
    %get3A_12 = vector.load %arg1[%get3A_9, %get3A_10, %get3A_11] : memref<2x2048x128xf32, #tpu.memory_space<vmem>>, vector<1x2048x128xf32>
    %get3A_13 = vector.shape_cast %get3A_12 : vector<1x2048x128xf32> to vector<2048x128xf32>
    %add3A_14 = arith.addf %get3A_8, %get3A_13 : vector<2048x128xf32>
    %get3A_15 = arith.constant 0 : index
    %get3A_16 = arith.constant 0 : index
    %get3A_17 = vector.load %arg2[%get3A_15, %get3A_16] : memref<2048x128xf32, #tpu.memory_space<vmem>>, vector<2048x128xf32>
    %add3A_18 = arith.addf %add3A_14, %get3A_17 : vector<2048x128xf32>
    %mul3A = vector.broadcast %rsqrt3A : vector<2048x1xf32> to vector<2048x128xf32>
    %mul3A_19 = arith.mulf %add3A_18, %mul3A : vector<2048x128xf32>
    %get3A_20 = arith.constant 0 : index
    %get3A_21 = arith.constant 0 : index
    %get3A_22 = vector.load %arg4[%get3A_20, %get3A_21] : memref<128x16xf32, #tpu.memory_space<vmem>>, vector<128x16xf32>
    %dot_general3A = arith.constant dense<0.000000e+00> : vector<2048x16xf32>
    %dot_general3A_23 = tpu.matmul %mul3A_19, %get3A_22, %dot_general3A {dimension_numbers = #tpu.dot_dimension_numbers<[1], [0], [0], [1], [0, 0, 1, 1], [], []>, transpose_lhs_hint = false} : vector<2048x128xf32>, vector<128x16xf32>, vector<2048x16xf32> -> vector<2048x16xf32>
    %get3A_24 = arith.constant 0 : index
    %get3A_25 = arith.constant 0 : index
    %get3A_26 = vector.load %arg5[%get3A_24, %get3A_25] : memref<1x16xf32, #tpu.memory_space<vmem>>, vector<1x16xf32>
    %add3A_27 = vector.broadcast %get3A_26 : vector<1x16xf32> to vector<2048x16xf32>
    %add3A_28 = arith.addf %dot_general3A_23, %add3A_27 : vector<2048x16xf32>
    %swap3A = arith.constant 0 : index
    %swap3A_29 = arith.constant 0 : index
    %swap3A_30 = vector.load %arg6[%swap3A, %swap3A_29] : memref<2048x16xf32, #tpu.memory_space<vmem>>, vector<2048x16xf32>
    tpu.vector_store %arg6[%swap3A, %swap3A_29], %add3A_28 {strides = array<i32>} : memref<2048x16xf32, #tpu.memory_space<vmem>>, vector<2048x16xf32>,
    return
  }
  func.func @transform_0(%arg0: i32) -> (i32, i32, i32) {
    %c0_i32 = arith.constant 0 : i32
    %c0_i32_0 = arith.constant 0 : i32
    %c0_i32_1 = arith.constant 0 : i32
    return %c0_i32, %arg0, %c0_i32_0 : i32, i32, i32
  }
  func.func @transform_1(%arg0: i32) -> (i32, i32) {
    %c0_i32 = arith.constant 0 : i32
    %c0_i32_0 = arith.constant 0 : i32
    return %arg0, %c0_i32 : i32, i32
  }
  func.func @transform_2(%arg0: i32) -> (i32, i32) {
    %c0_i32 = arith.constant 0 : i32
    %c0_i32_0 = arith.constant 0 : i32
    return %arg0, %c0_i32 : i32, i32
  }
  func.func @transform_3(%arg0: i32) -> (i32, i32) {
    %c0_i32 = arith.constant 0 : i32
    %c0_i32_0 = arith.constant 0 : i32
    %c0_i32_1 = arith.constant 0 : i32
    return %c0_i32, %c0_i32_0 : i32, i32
  }
  func.func @transform_4(%arg0: i32) -> (i32, i32) {
    %c0_i32 = arith.constant 0 : i32
    %c0_i32_0 = arith.constant 0 : i32
    %c0_i32_1 = arith.constant 0 : i32
    return %c0_i32, %c0_i32_0 : i32, i32
  }
  func.func @transform_5(%arg0: i32) -> (i32, i32) {
    %c0_i32 = arith.constant 0 : i32
    %c0_i32_0 = arith.constant 0 : i32
    return %arg0, %c0_i32 : i32, i32
  }
}

</mosaic_0001>

<sc_bundles>
// kernel: kernel.11.cloned.1.call-start
scs
__scs_entry_jumppad:
0x0: {  	(pc) =	sbr.rel $0x88, $3  }
0x1: {  	(tag) =	ssettag $0x0;
	lr =	simm.s32 $0x1  }
0x2: {  	[smem:$0x3F99] =	sst lr;
	_ =	strace $0xD0000000  }
0x3: {  	_ = 	snop  }
0x4: {  	_ = 	snop  }
0x5: {  	_ = 	snop  }
0x6: {  	_ = 	snop  }
0x7: {  	_ = 	snop  }
__scs_overlays_trampoline_lowered:
0x8: {  	[smem:$0x3FA8] =	sst s0  }
0x9: {  	[smem:$0x3FA9] =	sst s1  }
0xa: {  	[smem:$0x3FAA] =	sst s2  }
0xb: {  	[smem:$0x3FAB] =	sst s3  }
0xc: {  	[smem:$0x3FAC] =	sst s4  }
0xd: {  	[smem:$0x3FAD] =	sst s5  }
0xe: {  	[smem:$0x3FAE] =	sst s6  }
0xf: {  	[smem:$0x3FAF] =	sst s7  }
0x10: {  	[smem:$0x3FB0] =	sst s8  }
0x11: {  	[smem:$0x3FB1] =	sst s9;
	s0 =	simm.s32 @!p0 $0x0  }
0x12: {  	s1 =	sld [smem:$0x3F97];
	s0 =	simm.s32 @p0 $0x1  }
0x13: {  	[smem:$0x3FB2] =	sst s0;
	s0 =	simm.s32 @!p1 $0x0  }
0x14: {  	s2 =	sld [smem:$0x3F96];
	s0 =	simm.s32 @p1 $0x1  }
0x15: {  	[smem:$0x3FB3] =	sst s0;
	s0 =	simm.s32 @!p2 $0x0  }
0x16: {  	s3 =	sld [smem:$0x3FDB];
	s0 =	simm.s32 @p2 $0x1  }
0x17: {  	s4 =	simm.s32 $0x1BF5;
	[smem:$0x3FB5] =	sst s0  }
0x18: {  	s0 =	sld [smem:$0x3F98];
	_ =	swait.ge [sflag:s4], $0x0  }
0x19: {  	s7 =	sld [smem:$0x3F99]  }
0x1a: {  	s8 =	sadd.s32 $0xFFFFE003, lr  }
0x1b: {  	s9 =	sadd.s32 $0xFFFFFEF7, lr;
	s5 =	simm.s32 $0xFFFFFFFF;
	p2 =	slt.u32 s8, $0xFFFFF086  }
0x1c: {  	p1 =	slt.u32 s9, $0xF7A;
	s5 =	simm.s32 @!p2 $0x0  }
0x1d: {  	s5 =	simm.s32 @p1 $0x1;
	p0 =	seq.s32 s7, s2  }
0x1e: {  	s7 =	smul.u32 @!p0 $0xF7A, s2;
	p2 =	seq.s32 @!p0 s5, $0x0  }
0x1f: {  	s9 =	smul.u32 $0xF7A, s1;
	s8 =	simm.s32 @!p0 $0x1BF5;
	p2 =	por !p2, p0  }
0x20: {  	[sflag:s8] =	ssyncset.s32 @!p0 $0xFFFFF086;
	s6 =	sadd.s32 @!p0 s3, s7;
	s7 =	simm.s32 @!p0 $0x108  }
0x21: {  	s3 =	sadd.s32 s3, s9;
	s6 =	sadd.s32 @!p0 $0x88, s6;
	s7 =	simm.s32 @p2 $0x1082  }
0x22: {  	[simem:s7], [sflag:s8] =	dma.local @!p0 [hbm:s6], $0xF7A  }
0x23: {  	s9 =	sor.u32 $0xD0000000, s2;
	s6 =	simm.s32 $0x108;
	_ =	swait.ge @!p0 [sflag:s8], $0x0  }
0x24: {  	s3 =	sadd.s32 $0x88, s3;
	s6 =	simm.s32 @!p1 $0x1082;
	[sflag:s4] =	ssyncset.s32 $0xFFFFF086  }
0x25: {  	[simem:s6], [sflag:s4] =	dma.local [hbm:s3], $0xF7A  }
0x26: {  	[smem:$0x3F99] =	sst s1;
	(tag) =	ssettag s2;
	_ =	strace s9  }
0x27: {  	s1 =	sld [smem:$0x3FA9]  }
0x28: {  	s2 =	sld [smem:$0x3FAA]  }
0x29: {  	s4 =	sld [smem:$0x3FAC]  }
0x2a: {  	p0 =	seq.s32 s5, $0x0;
	s5 =	sld [smem:$0x3FAD]  }
0x2b: {  	s6 =	sld [smem:$0x3FAE]  }
0x2c: {  	s7 =	sld [smem:$0x3FAF]  }
0x2d: {  	s3 =	simm.s32 $0x108;
	s8 =	sld [smem:$0x3FB0]  }
0x2e: {  	s3 =	simm.s32 @!p0 $0x1082;
	s9 =	sld [smem:$0x3FB1]  }
0x2f: {  	lr =	sadd.s32 s0, s3;
	s0 =	sld [smem:$0x3FA8]  }
0x30: {  	s3 =	sld [smem:$0x3FAB]  }
0x31: {  	[smem:$0x3FB4] =	sst s10  }
0x32: {  	s10 =	sld [smem:$0x3FB2];
	_ =	sdelay $0x3  }
0x33: {  	p0 =	seq.s32 s10, $0x1;
	s10 =	sld [smem:$0x3FB4];
	_ =	sdelay $0x3  }
0x34: {  	[smem:$0x3FB4] =	sst s10  }
0x35: {  	s10 =	sld [smem:$0x3FB3];
	_ =	sdelay $0x3  }
0x36: {  	p1 =	seq.s32 s10, $0x1;
	s10 =	sld [smem:$0x3FB4];
	_ =	sdelay $0x3  }
0x37: {  	[smem:$0x3FB4] =	sst s10  }
0x38: {  	s10 =	sld [smem:$0x3FB5]  }
0x39: {  	_ = 	snop;
	(pc) =	sbr.ind lr, $3  }
0x3a: {  	_ = 	snop  }
0x3b: {  	_ = 	snop  }
0x3c: {  	p2 =	seq.s32 s10, $0x1;
	s10 =	sld [smem:$0x3FB4]  }
0x3d: {  	_ =	shalt  }
0x3e: {  	_ =	shalt  }
0x3f: {  	_ =	shalt  }
0x40: {  	_ =	shalt  }
0x41: {  	_ =	shalt  }
0x42: {  	_ =	shalt  }
0x43: {  	_ =	shalt  }
0x44: {  	_ =	shalt  }
0x45: {  	_ =	shalt  }
0x46: {  	_ =	shalt  }
0x47: {  	_ =	shalt  }
0x48: {  	_ =	shalt  }
0x49: {  	_ =	shalt  }
0x4a: {  	_ =	shalt  }
0x4b: {  	_ =	shalt  }
0x4c: {  	_ =	shalt  }
0x4d: {  	_ =	shalt  }
0x4e: {  	_ =	shalt  }
0x4f: {  	_ =	shalt  }
0x50: {  	_ =	shalt  }
0x51: {  	_ =	shalt  }
0x52: {  	_ =	shalt  }
0x53: {  	_ =	shalt  }
0x54: {  	_ =	shalt  }
0x55: {  	_ =	shalt  }
0x56: {  	_ =	shalt  }
0x57: {  	_ =	shalt  }
0x58: {  	_ =	shalt  }
0x59: {  	_ =	shalt  }
0x5a: {  	_ =	shalt  }
0x5b: {  	_ =	shalt  }
0x5c: {  	_ =	shalt  }
0x5d: {  	_ =	shalt  }
0x5e: {  	_ =	shalt  }
0x5f: {  	_ =	shalt  }
0x60: {  	_ =	shalt  }
0x61: {  	_ =	shalt  }
0x62: {  	_ =	shalt  }
0x63: {  	_ =	shalt  }
0x64: {  	_ =	shalt  }
0x65: {  	_ =	shalt  }
0x66: {  	_ =	shalt  }
0x67: {  	_ =	shalt  }
0x68: {  	_ =	shalt  }
0x69: {  	_ =	shalt  }
0x6a: {  	_ =	shalt  }
0x6b: {  	_ =	shalt  }
0x6c: {  	_ =	shalt  }
0x6d: {  	_ =	shalt  }
0x6e: {  	_ =	shalt  }
0x6f: {  	_ =	shalt  }
0x70: {  	_ =	shalt  }
0x71: {  	_ =	shalt  }
0x72: {  	_ =	shalt  }
0x73: {  	_ =	shalt  }
0x74: {  	_ =	shalt  }
0x75: {  	_ =	shalt  }
0x76: {  	_ =	shalt  }
0x77: {  	_ =	shalt  }
0x78: {  	_ =	shalt  }
0x79: {  	_ =	shalt  }
0x7a: {  	_ =	shalt  }
0x7b: {  	_ =	shalt  }
0x7c: {  	_ =	shalt  }
0x7d: {  	_ =	shalt  }
0x7e: {  	_ =	shalt  }
0x7f: {  	_ =	shalt  }
0x80: {  	_ =	shalt  }
0x81: {  	_ =	shalt  }
0x82: {  	_ =	shalt  }
0x83: {  	_ =	shalt  }
0x84: {  	_ =	shalt  }
0x85: {  	_ =	shalt  }
0x86: {  	_ =	shalt  }
0x87: {  	_ =	shalt  }
.Lfunc_end0:
.L_simem_size_0:
called_computation.1_lowered:
.L_overlay_start_0:
0x88: {  	s2 =	sld [smem:$0x3FD9]  }
0x89: {  	s3 =	sld [smem:$0x3FFE];
	_ =	sdelay $0x1  }
0x8a: {  	s1 =	srdreg.scid  }
0x8b: {  	s0 =	sand.u32 $0x1, s1  }
0x8c: {  	s16 =	sshll.u32 s0, $0xA;
	s2 =	sadd.s32 s3, s2  }
0x8d: {  	s2 =	sadd.s32 s2, s16  }
0x8e: {  	[smem:$0x3FC0] =	sst s2  }
0x8f: {  	_ = 	snop  }
0x90: {  	(tm) =	ssettm $0x1  }
0x91: {  	s17 =	sld [smem:$0x3FFB];
	_ =	sdelay $0x3  }
0x92: {  	_ =	strace s17  }
0x93: {  	s2 =	sld [smem:$0x3FFC];
	_ =	sdelay $0x3  }
0x94: {  	_ =	strace s2  }
0x95: {  	s2 =	sld [smem:$0x3FFD];
	_ =	sdelay $0x3  }
0x96: {  	_ =	strace s2  }
0x97: {  	_ =	strace $0x8FFFFFFF  }
0x98: {  	s18 =	sld [smem:$0x3FDB];
	_ =	sdelay $0x1  }
0x99: {  	s19 =	simm.s32 $_scs_section_size  }
0x9a: {  	s4 =	simm.s32 $_size__tile_overlayer_lowered;
	s5 =	simm.s32 $_tile_overlayer_lowered  }
0x9b: {  	s22 =	simm.s32 $0x1BFF;
	s21 =	sshll.u32 s5, $0x1;
	s2 =	sadd.s32 s19, s18  }
0x9c: {  	s6 =	simm.s32 $0x0;
	s20 =	sshll.u32 s4, $0x1;
	s4 =	sadd.s32 s21, s2  }
0x9d: {  	[timem:s6], [sflag:s22] =	dma.local [hbm:s4], s20  }
0x9e: {  	_ =	swait.ge [sflag:s22], s20  }
0x9f: {  	s3 =	ssub.s32 $0x0, s20;
	[sflag:s22] =	ssyncset.done $0x0  }
0xa0: {  	[sflag:s22] =	ssyncadd.s32 s3;
	_ =	sdelay $0x1  }
0xa1: {  	s23 =	simm.s32 $0x1B8B  }
0xa2: {  	_ =	swait.ge [sflag:s23], $0x1  }
0xa3: {  	[sflag:s23] =	ssyncset.done $0x0  }
0xa4: {  	s25 =	simm.s32 $0x1B8E;
	s24 =	sld [smem:$0x3FFE];
	[sflag:s23] =	ssyncadd.s32 $0xFFFFFFFF  }
0xa5: {  	s26 =	simm.s32 $execute0_lowered;
	[smem:$0x3FD2] =	sst s25  }
0xa6: {  	s4 =	sshll.u32 s26, $0x1;
	_ =	strace $0x80000049;
	[dreg:$0x1] =	wrdreg $0xFFFFFFFF  }
0xa7: {  	s28 =	simm.s32 $_size_execute0_lowered;
	s2 =	sadd.s32 s2, s4;
	[dreg:$0x0] =	wrdreg $0x0  }
0xa8: {  	s4 =	sshll.u32 s28, $0x1;
	[dreg:$0x2] =	wrdreg s2  }
0xa9: {  	[dreg:$0x3] =	wrdreg s4  }
0xaa: {  	[dreg:$0x4] =	wrdreg $0xC0  }
0xab: {  	_ =	task [dreg:s6], $0x5FFFF  }
0xac: {  	[dreg:$0x1] =	wrdreg $0xFFFFFFFF  }
0xad: {  	[dreg:$0x0] =	wrdreg $0x60  }
0xae: {  	[dreg:$0x2] =	wrdreg s24  }
0xaf: {  	[dreg:$0x3] =	wrdreg $0x90000  }
0xb0: {  	[dreg:$0x4] =	wrdreg $0x9  }
0xb1: {  	_ =	task.clear_ibuf [dreg:s6], $0x5FFFF;
	_ =	strace $0x90000049  }
0xb2: {  	s29 =	simm.s32 $0x9;
	_ =	strace $0x8000004B  }
0xb3: {  	_ =	swait.ge [sflag:s29], $0x1  }
0xb4: {  	[sflag:s29] =	ssyncadd.s32 $0xFFFFFFFF  }
0xb5: {  	_ =	strace $0x9000004B  }
0xb6: {  	_ =	sfence  }
0xb7: {  	s30 =	sld [smem:$0x0];
	_ =	sdelay $0x2  }
0xb8: {  	s31 =	sshll.u32 s1, $0xD;
	s1 =	sshrl.u32 s1, $0x2  }
0xb9: {  	s3 =	sand.u32 $0x4000, s31;
	s1 =	sadd.s32 s1, s30  }
0xba: {  	s0 =	sor.u32 s3, s0;
	s1 =	sshll.u32 s1, $0x11  }
0xbb: {  	s0 =	sor.u32 s1, s0  }
0xbc: {  	s0 =	sadd.s32 $0x8F2B, s0  }
0xbd: {  	[sflag:s0] =	ssyncadd.remote.s32 $0x1  }
0xbe: {  	_ =	sfence.sel $0xFFFF  }
0xbf: {  	[dreg:$0x0] =	wrdreg $0xFFFFFFFF;
	(pc) =	sbr.abs _section_cstart, $3  }
0xc0: {  	[dreg:$0x1] =	wrdreg $0xFFFFFFFF  }
0xc1: {  	_ =	task.clear_ibuf [dreg:s6], $0x2FFFF;
	_ =	strace $0x9FFFFFFF  }
0xc2: {  	(tm) =	ssettm $0x7FFFFFFF  }
0xc3: {  	_ =	shalt  }
tec
execute0_lowered:
.L_overlay_start_1:
0x0: {  	(tag) =	ssettag $0x1  }
0x1: {  	s7 =	rddreg [dreg:$0x0]  }
0x2: {  	s0 =	srdreg.scid;
	s2 =	rddreg [dreg:$0x1]  }
0x3: {  	s3 =	simm.s32 $0x0;
	s14 =	simm.s32 $0x80;
	s15 =	simm.s32 $0x5000  }
0x4: {  	s16 =	simm.s32 $0x1;
	s6 =	sand.u32 $0x1, s0;
	s0 =	stileid.u32  }
0x5: {  	s17 =	simm.s32 $0x0;
	[smem:$0x7FF] =	sst s3;
	s8 =	smul.u32 $0x140000, s6  }
0x6: {  	s4 =	sadd.s32 $0x15C00, s7;
	s1 =	sshll.u32 s6, $0x4;
	s9 =	smul.u32 $0x14000, s0  }
0x7: {  	s28 =	smul.u32 $0x50000, s0;
	s6 =	ssub.s32 $0x2, s6;
	s1 =	sor.u32 s0, s1  }
0x8: {  	s31 =	sshll.u32 s0, $0x6;
	s29 =	sshrl.u32 s6, $0x1;
	s5 =	smul.u32 $0x500, s1  }
0x9: {  	s1 =	rddreg [dreg:$0x2];
	_ =	strace $0x8000004A;
	s8 =	sadd.s32 s9, s8  }
0xa: {  	s30 =	sshrl.u32 s28, $0x2;
	s12 =	ssub.s32 s6, s29;
	s6 =	sor.u32 $0x1C02, s31  }
0xb: {  	s8 =	sshrl.u32 s8, $0x3;
	s13 =	sadd.s32 s30, s2;
	s10 =	sadd.s32 s5, s7  }
0xc: {  	s5 =	sadd.s32 $0x3DC00, s7;
	s11 =	sadd.s32 s8, s7;
	s7 =	sadd.s32 $0x1C00, s10  }
0xd: {  	s8 =	sadd.s32 $0xBC00, s10;
	s9 =	sadd.s32 $0x40400, s11;
	s10 =	smax.u32 s12, $0x1  }
0xe: {  	s11 =	sshrl.u32 s13, $0x3;
	s12 =	simm.s32 $0x2;
	s13 =	simm.s32 $0x2800  }
.LBB2_1:
0xf: {  	[spmem:s11], [sflag:s6] =	dma.local [hbm:s5], $0x2800  }
0x10: {  	_ =	swait.ge [sflag:s12], $0x2800  }
0x11: {  	[sflag:s12] =	ssyncset.done $0x0  }
0x12: {  	[sflag:s12] =	ssyncadd.s32 $0xFFFFD800  }
0x13: {  	[tilespmem:s3], [sflag:$0x2] =	stream.linear.gather [hbm4b:s7+s3], $0x2780, $0x38;
	[tilespmem:$0x1D000] =	vst v63  }
0x14: {  	_ =	swait.ge [sflag:s12], $0x2780  }
0x15: {  	[sflag:s12] =	ssyncset.done $0x0  }
0x16: {  	[sflag:s12] =	ssyncadd.s32 $0xFFFFD880  }
0x17: {  	[tilespmem:s13], [sflag:$0x2] =	stream.linear.gather [hbm4b:s8+s3], $0x2780, $0x38;
	[tilespmem:$0x1D000] =	vst v63  }
0x18: {  	_ =	swait.ge [sflag:s12], $0x2780  }
0x19: {  	[sflag:s12] =	ssyncset.done $0x0  }
0x1a: {  	[sflag:s12] =	ssyncadd.s32 $0xFFFFD880  }
0x1b: {  	s18 =	simm.s32 $0x0;
	[bflag:$0x0] =	sbarrier.arrive $0xFFFF  }
0x1c: {  	[tilespmem:s15], [sflag:$0x1] =	stream.indirect.gather [hbm4b:s4+s14], $0x80, s18, s14, $0xb8;
	[tilespmem:$0x1D000] =	vst v63  }
0x1d: {  	_ =	swait.ge [sflag:s16], $0x4000  }
0x1e: {  	[sflag:s16] =	ssyncset.done $0x0  }
0x1f: {  	s31 =	simm.s32 $0x2800;
	[sflag:s16] =	ssyncadd.s32 $0xFFFFC000  }
0x20: {  	[spmem:s2] =	stream.indirect.scatter.add.f32 [tilespmem:s15], [sflag:$0x2], $0x80, s31, s14, $0xb8;
	[tilespmem:$0x1D000] =	vst v63  }
0x21: {  	_ =	swait.ge [sflag:s12], $0x4000  }
0x22: {  	s19 =	simm.s32 $0x400;
	s18 =	simm.s32 $0x200;
	[sflag:s12] =	ssyncset.done $0x0  }
.LBB2_2:
0x23: {  	s20 =	sshra.s32 s18, $0x2  }
0x24: {  	[sflag:s12] =	ssyncadd.s32 $0xFFFFC000;
	s18 =	smov.u32 s19;
	s21 =	sadd.s32 $0x200, s19  }
0x25: {  	[tilespmem:s15], [sflag:$0x1] =	stream.indirect.gather [hbm4b:s4+s14], $0x80, s20, s14, $0xb8;
	[tilespmem:$0x1D000] =	vst v63  }
0x26: {  	p0 =	sne.s32 s19, $0x9C00;
	_ =	swait.ge [sflag:s16], $0x4000  }
.Ltmp0:
0x27: {  	[sflag:s16] =	ssyncset.done $0x0;
	(pc) =	sbr.rel @p0 .LBB2_2-.Ltmp0, $4  }
0x28: {  	s19 =	sadd.s32 $0x2800, s20;
	[sflag:s16] =	ssyncadd.s32 $0xFFFFC000  }
0x29: {  	[spmem:s2] =	stream.indirect.scatter.add.f32 [tilespmem:s15], [sflag:$0x2], $0x80, s19, s14, $0xb8;
	[tilespmem:$0x1D000] =	vst v63  }
0x2a: {  	_ =	swait.ge [sflag:s12], $0x4000  }
0x2b: {  	s19 =	smov.u32 s21;
	[sflag:s12] =	ssyncset.done $0x0  }
0x2c: {  	s18 =	sshra.s32 s18, $0x2;
	[sflag:s12] =	ssyncadd.s32 $0xFFFFC000  }
0x2d: {  	[tilespmem:s15], [sflag:$0x1] =	stream.indirect.gather [hbm4b:s4+s14], $0x80, s18, s14, $0xb8;
	[tilespmem:$0x1D000] =	vst v63  }
0x2e: {  	_ =	swait.ge [sflag:s16], $0x4000  }
0x2f: {  	[sflag:s16] =	ssyncset.done $0x0  }
0x30: {  	s18 =	sadd.s32 $0x2800, s18;
	[sflag:s16] =	ssyncadd.s32 $0xFFFFC000  }
0x31: {  	[spmem:s2] =	stream.indirect.scatter.add.f32 [tilespmem:s15], [sflag:$0x2], $0x80, s18, s14, $0xb8;
	[tilespmem:$0x1D000] =	vst v63  }
0x32: {  	_ =	swait.ge [sflag:s12], $0x4000  }
0x33: {  	s17 =	sadd.s32 $0x1, s17;
	[sflag:s12] =	ssyncset.done $0x0  }
0x34: {  	p0 =	sne.s32 s17, s10;
	[sflag:s12] =	ssyncadd.s32 $0xFFFFC000  }
.Ltmp1:
0x35: {  	[bflag:$0x0] =	sbarrier.arrive $0xFFFF;
	(pc) =	sbr.rel @p0 .LBB2_1-.Ltmp1, $4  }
0x36: {  	[hbm:s9], [sflag:s6] =	dma.local [spmem:s11], $0x2800  }
0x37: {  	_ =	swait.ge [sflag:s12], $0x2800  }
0x38: {  	[sflag:s12] =	ssyncset.done $0x0  }
0x39: {  	[sflag:s12] =	ssyncadd.s32 $0xFFFFD800  }
0x3a: {  	_ =	sfence.sel $0x180000  }
0x3b: {  	[bflag:$0x0] =	sbarrier.arrive $0xFFFF  }
0x3c: {  	p0 =	sne.s32 s0, $0x0;
	_ =	strace $0x9000004A  }
0x3d: {  	s0 =	sadd.s32 @!p0 $0x100000, s1;
	[bflag:$0x2] =	sbarrier.arrive $0xFFFF  }
0x3e: {  	[sflag:s0] =	ssyncadd.tile.s32 @!p0 $0x1;
	_ =	shalt  }
.Lfunc_end2:
_tile_overlayer_lowered:
.L_overlay_start_2:
0x3f: {  	(tag) =	ssettag $0x2  }
0x40: {  	s0 =	rddreg [dreg:$0x0];
	s2 =	stileid.u32  }
0x41: {  	s1 =	rddreg [dreg:$0x1];
	p0 =	sne.s32 s2, $0x0  }
0x42: {  	s3 =	rddreg [dreg:$0x2];
	[bflag:$0x3] =	sbarrier.arrive $0xFFFF;
	s2 =	simm.s32 @!p0 $0x1C02  }
0x43: {  	[timem:s3], [sflag:s2] =	dma.local @!p0 [hbm:s0], s1  }
0x44: {  	s0 =	simm.s32 @!p0 $0x2  }
0x45: {  	_ =	swait.ge @!p0 [sflag:s0], s1  }
0x46: {  	s1 =	ssub.s32 @!p0 $0x0, s1;
	[sflag:s0] =	ssyncset.done @!p0 $0x0  }
0x47: {  	[sflag:s0] =	ssyncadd.s32 @!p0 s1  }
0x48: {  	[bflag:$0x3] =	sbarrier.arrive $0xFFFF  }
0x49: {  	_ =	shalt  }

// kernel: kernel.8.cloned.1.call-start
scs
__scs_entry_jumppad:
0x0: {  	(pc) =	sbr.rel $0x88, $3  }
0x1: {  	(tag) =	ssettag $0x0;
	lr =	simm.s32 $0x1  }
0x2: {  	[smem:$0x3F99] =	sst lr;
	_ =	strace $0xD0000000  }
0x3: {  	_ = 	snop  }
0x4: {  	_ = 	snop  }
0x5: {  	_ = 	snop  }
0x6: {  	_ = 	snop  }
0x7: {  	_ = 	snop  }
__scs_overlays_trampoline_lowered:
0x8: {  	[smem:$0x3FA8] =	sst s0  }
0x9: {  	[smem:$0x3FA9] =	sst s1  }
0xa: {  	[smem:$0x3FAA] =	sst s2  }
0xb: {  	[smem:$0x3FAB] =	sst s3  }
0xc: {  	[smem:$0x3FAC] =	sst s4  }
0xd: {  	[smem:$0x3FAD] =	sst s5  }
0xe: {  	[smem:$0x3FAE] =	sst s6  }
0xf: {  	[smem:$0x3FAF] =	sst s7  }
0x10: {  	[smem:$0x3FB0] =	sst s8  }
0x11: {  	[smem:$0x3FB1] =	sst s9;
	s0 =	simm.s32 @!p0 $0x0  }
0x12: {  	s1 =	sld [smem:$0x3F97];
	s0 =	simm.s32 @p0 $0x1  }
0x13: {  	[smem:$0x3FB2] =	sst s0;
	s0 =	simm.s32 @!p1 $0x0  }
0x14: {  	s2 =	sld [smem:$0x3F96];
	s0 =	simm.s32 @p1 $0x1  }
0x15: {  	[smem:$0x3FB3] =	sst s0;
	s0 =	simm.s32 @!p2 $0x0  }
0x16: {  	s3 =	sld [smem:$0x3FDB];
	s0 =	simm.s32 @p2 $0x1  }
0x17: {  	s4 =	simm.s32 $0x1BF5;
	[smem:$0x3FB5] =	sst s0  }
0x18: {  	s0 =	sld [smem:$0x3F98];
	_ =	swait.ge [sflag:s4], $0x0  }
0x19: {  	s7 =	sld [smem:$0x3F99]  }
0x1a: {  	s8 =	sadd.s32 $0xFFFFE003, lr  }
0x1b: {  	s9 =	sadd.s32 $0xFFFFFEF7, lr;
	s5 =	simm.s32 $0xFFFFFFFF;
	p2 =	slt.u32 s8, $0xFFFFF086  }
0x1c: {  	p1 =	slt.u32 s9, $0xF7A;
	s5 =	simm.s32 @!p2 $0x0  }
0x1d: {  	s5 =	simm.s32 @p1 $0x1;
	p0 =	seq.s32 s7, s2  }
0x1e: {  	s7 =	smul.u32 @!p0 $0xF7A, s2;
	p2 =	seq.s32 @!p0 s5, $0x0  }
0x1f: {  	s9 =	smul.u32 $0xF7A, s1;
	s8 =	simm.s32 @!p0 $0x1BF5;
	p2 =	por !p2, p0  }
0x20: {  	[sflag:s8] =	ssyncset.s32 @!p0 $0xFFFFF086;
	s6 =	sadd.s32 @!p0 s3, s7;
	s7 =	simm.s32 @!p0 $0x108  }
0x21: {  	s3 =	sadd.s32 s3, s9;
	s6 =	sadd.s32 @!p0 $0x88, s6;
	s7 =	simm.s32 @p2 $0x1082  }
0x22: {  	[simem:s7], [sflag:s8] =	dma.local @!p0 [hbm:s6], $0xF7A  }
0x23: {  	s9 =	sor.u32 $0xD0000000, s2;
	s6 =	simm.s32 $0x108;
	_ =	swait.ge @!p0 [sflag:s8], $0x0  }
0x24: {  	s3 =	sadd.s32 $0x88, s3;
	s6 =	simm.s32 @!p1 $0x1082;
	[sflag:s4] =	ssyncset.s32 $0xFFFFF086  }
0x25: {  	[simem:s6], [sflag:s4] =	dma.local [hbm:s3], $0xF7A  }
0x26: {  	[smem:$0x3F99] =	sst s1;
	(tag) =	ssettag s2;
	_ =	strace s9  }
0x27: {  	s1 =	sld [smem:$0x3FA9]  }
0x28: {  	s2 =	sld [smem:$0x3FAA]  }
0x29: {  	s4 =	sld [smem:$0x3FAC]  }
0x2a: {  	p0 =	seq.s32 s5, $0x0;
	s5 =	sld [smem:$0x3FAD]  }
0x2b: {  	s6 =	sld [smem:$0x3FAE]  }
0x2c: {  	s7 =	sld [smem:$0x3FAF]  }
0x2d: {  	s3 =	simm.s32 $0x108;
	s8 =	sld [smem:$0x3FB0]  }
0x2e: {  	s3 =	simm.s32 @!p0 $0x1082;
	s9 =	sld [smem:$0x3FB1]  }
0x2f: {  	lr =	sadd.s32 s0, s3;
	s0 =	sld [smem:$0x3FA8]  }
0x30: {  	s3 =	sld [smem:$0x3FAB]  }
0x31: {  	[smem:$0x3FB4] =	sst s10  }
0x32: {  	s10 =	sld [smem:$0x3FB2];
	_ =	sdelay $0x3  }
0x33: {  	p0 =	seq.s32 s10, $0x1;
	s10 =	sld [smem:$0x3FB4];
	_ =	sdelay $0x3  }
0x34: {  	[smem:$0x3FB4] =	sst s10  }
0x35: {  	s10 =	sld [smem:$0x3FB3];
	_ =	sdelay $0x3  }
0x36: {  	p1 =	seq.s32 s10, $0x1;
	s10 =	sld [smem:$0x3FB4];
	_ =	sdelay $0x3  }
0x37: {  	[smem:$0x3FB4] =	sst s10  }
0x38: {  	s10 =	sld [smem:$0x3FB5]  }
0x39: {  	_ = 	snop;
	(pc) =	sbr.ind lr, $3  }
0x3a: {  	_ = 	snop  }
0x3b: {  	_ = 	snop  }
0x3c: {  	p2 =	seq.s32 s10, $0x1;
	s10 =	sld [smem:$0x3FB4]  }
0x3d: {  	_ =	shalt  }
0x3e: {  	_ =	shalt  }
0x3f: {  	_ =	shalt  }
0x40: {  	_ =	shalt  }
0x41: {  	_ =	shalt  }
0x42: {  	_ =	shalt  }
0x43: {  	_ =	shalt  }
0x44: {  	_ =	shalt  }
0x45: {  	_ =	shalt  }
0x46: {  	_ =	shalt  }
0x47: {  	_ =	shalt  }
0x48: {  	_ =	shalt  }
0x49: {  	_ =	shalt  }
0x4a: {  	_ =	shalt  }
0x4b: {  	_ =	shalt  }
0x4c: {  	_ =	shalt  }
0x4d: {  	_ =	shalt  }
0x4e: {  	_ =	shalt  }
0x4f: {  	_ =	shalt  }
0x50: {  	_ =	shalt  }
0x51: {  	_ =	shalt  }
0x52: {  	_ =	shalt  }
0x53: {  	_ =	shalt  }
0x54: {  	_ =	shalt  }
0x55: {  	_ =	shalt  }
0x56: {  	_ =	shalt  }
0x57: {  	_ =	shalt  }
0x58: {  	_ =	shalt  }
0x59: {  	_ =	shalt  }
0x5a: {  	_ =	shalt  }
0x5b: {  	_ =	shalt  }
0x5c: {  	_ =	shalt  }
0x5d: {  	_ =	shalt  }
0x5e: {  	_ =	shalt  }
0x5f: {  	_ =	shalt  }
0x60: {  	_ =	shalt  }
0x61: {  	_ =	shalt  }
0x62: {  	_ =	shalt  }
0x63: {  	_ =	shalt  }
0x64: {  	_ =	shalt  }
0x65: {  	_ =	shalt  }
0x66: {  	_ =	shalt  }
0x67: {  	_ =	shalt  }
0x68: {  	_ =	shalt  }
0x69: {  	_ =	shalt  }
0x6a: {  	_ =	shalt  }
0x6b: {  	_ =	shalt  }
0x6c: {  	_ =	shalt  }
0x6d: {  	_ =	shalt  }
0x6e: {  	_ =	shalt  }
0x6f: {  	_ =	shalt  }
0x70: {  	_ =	shalt  }
0x71: {  	_ =	shalt  }
0x72: {  	_ =	shalt  }
0x73: {  	_ =	shalt  }
0x74: {  	_ =	shalt  }
0x75: {  	_ =	shalt  }
0x76: {  	_ =	shalt  }
0x77: {  	_ =	shalt  }
0x78: {  	_ =	shalt  }
0x79: {  	_ =	shalt  }
0x7a: {  	_ =	shalt  }
0x7b: {  	_ =	shalt  }
0x7c: {  	_ =	shalt  }
0x7d: {  	_ =	shalt  }
0x7e: {  	_ =	shalt  }
0x7f: {  	_ =	shalt  }
0x80: {  	_ =	shalt  }
0x81: {  	_ =	shalt  }
0x82: {  	_ =	shalt  }
0x83: {  	_ =	shalt  }
0x84: {  	_ =	shalt  }
0x85: {  	_ =	shalt  }
0x86: {  	_ =	shalt  }
0x87: {  	_ =	shalt  }
.Lfunc_end0:
.L_simem_size_0:
called_computation_lowered:
.L_overlay_start_0:
0x88: {  	s2 =	sld [smem:$0x3FD9]  }
0x89: {  	s3 =	sld [smem:$0x3FFE];
	_ =	sdelay $0x1  }
0x8a: {  	s1 =	srdreg.scid  }
0x8b: {  	s0 =	sand.u32 $0x1, s1  }
0x8c: {  	s16 =	sshll.u32 s0, $0xA;
	s2 =	sadd.s32 s3, s2  }
0x8d: {  	s2 =	sadd.s32 s2, s16  }
0x8e: {  	[smem:$0x3FC0] =	sst s2  }
0x8f: {  	_ = 	snop  }
0x90: {  	(tm) =	ssettm $0x1  }
0x91: {  	s17 =	sld [smem:$0x3FFB];
	_ =	sdelay $0x3  }
0x92: {  	_ =	strace s17  }
0x93: {  	s2 =	sld [smem:$0x3FFC];
	_ =	sdelay $0x3  }
0x94: {  	_ =	strace s2  }
0x95: {  	s2 =	sld [smem:$0x3FFD];
	_ =	sdelay $0x3  }
0x96: {  	_ =	strace s2  }
0x97: {  	_ =	strace $0x8FFFFFFF  }
0x98: {  	s18 =	sld [smem:$0x3FDB];
	_ =	sdelay $0x1  }
0x99: {  	s19 =	simm.s32 $_scs_section_size  }
0x9a: {  	s4 =	simm.s32 $_size__tile_overlayer_lowered;
	s5 =	simm.s32 $_tile_overlayer_lowered  }
0x9b: {  	s22 =	simm.s32 $0x1BFF;
	s21 =	sshll.u32 s5, $0x1;
	s2 =	sadd.s32 s19, s18  }
0x9c: {  	s6 =	simm.s32 $0x0;
	s20 =	sshll.u32 s4, $0x1;
	s4 =	sadd.s32 s21, s2  }
0x9d: {  	[timem:s6], [sflag:s22] =	dma.local [hbm:s4], s20  }
0x9e: {  	_ =	swait.ge [sflag:s22], s20  }
0x9f: {  	s3 =	ssub.s32 $0x0, s20;
	[sflag:s22] =	ssyncset.done $0x0  }
0xa0: {  	[sflag:s22] =	ssyncadd.s32 s3;
	_ =	sdelay $0x1  }
0xa1: {  	s23 =	simm.s32 $0x1B8B  }
0xa2: {  	_ =	swait.ge [sflag:s23], $0x1  }
0xa3: {  	[sflag:s23] =	ssyncset.done $0x0  }
0xa4: {  	s25 =	simm.s32 $0x1B8E;
	s24 =	sld [smem:$0x3FFE];
	[sflag:s23] =	ssyncadd.s32 $0xFFFFFFFF  }
0xa5: {  	s26 =	simm.s32 $execute0_lowered;
	[smem:$0x3FD2] =	sst s25  }
0xa6: {  	s4 =	sshll.u32 s26, $0x1;
	_ =	strace $0x80000046;
	[dreg:$0x1] =	wrdreg $0xFFFFFFFF  }
0xa7: {  	s28 =	simm.s32 $_size_execute0_lowered;
	s2 =	sadd.s32 s2, s4;
	[dreg:$0x0] =	wrdreg $0x0  }
0xa8: {  	s4 =	sshll.u32 s28, $0x1;
	[dreg:$0x2] =	wrdreg s2  }
0xa9: {  	[dreg:$0x3] =	wrdreg s4  }
0xaa: {  	[dreg:$0x4] =	wrdreg $0xC0  }
0xab: {  	_ =	task [dreg:s6], $0x5FFFF  }
0xac: {  	[dreg:$0x1] =	wrdreg $0xFFFFFFFF  }
0xad: {  	[dreg:$0x0] =	wrdreg $0x60  }
0xae: {  	[dreg:$0x2] =	wrdreg s24  }
0xaf: {  	[dreg:$0x3] =	wrdreg $0x90000  }
0xb0: {  	[dreg:$0x4] =	wrdreg $0x9  }
0xb1: {  	_ =	task.clear_ibuf [dreg:s6], $0x5FFFF;
	_ =	strace $0x90000046  }
0xb2: {  	s29 =	simm.s32 $0x9;
	_ =	strace $0x80000048  }
0xb3: {  	_ =	swait.ge [sflag:s29], $0x1  }
0xb4: {  	[sflag:s29] =	ssyncadd.s32 $0xFFFFFFFF  }
0xb5: {  	_ =	strace $0x90000048  }
0xb6: {  	_ =	sfence  }
0xb7: {  	s30 =	sld [smem:$0x0];
	_ =	sdelay $0x2  }
0xb8: {  	s31 =	sshll.u32 s1, $0xD;
	s1 =	sshrl.u32 s1, $0x2  }
0xb9: {  	s3 =	sand.u32 $0x4000, s31;
	s1 =	sadd.s32 s1, s30  }
0xba: {  	s0 =	sor.u32 s3, s0;
	s1 =	sshll.u32 s1, $0x11  }
0xbb: {  	s0 =	sor.u32 s1, s0  }
0xbc: {  	s0 =	sadd.s32 $0x8F2B, s0  }
0xbd: {  	[sflag:s0] =	ssyncadd.remote.s32 $0x1  }
0xbe: {  	_ =	sfence.sel $0xFFFF  }
0xbf: {  	[dreg:$0x0] =	wrdreg $0xFFFFFFFF;
	(pc) =	sbr.abs _section_cstart, $3  }
0xc0: {  	[dreg:$0x1] =	wrdreg $0xFFFFFFFF  }
0xc1: {  	_ =	task.clear_ibuf [dreg:s6], $0x2FFFF;
	_ =	strace $0x9FFFFFFF  }
0xc2: {  	(tm) =	ssettm $0x7FFFFFFF  }
0xc3: {  	_ =	shalt  }
tec
execute0_lowered:
.L_overlay_start_1:
0x0: {  	(tag) =	ssettag $0x1  }
0x1: {  	s7 =	rddreg [dreg:$0x0]  }
0x2: {  	s0 =	srdreg.scid;
	s2 =	rddreg [dreg:$0x1]  }
0x3: {  	s3 =	simm.s32 $0x0;
	s14 =	simm.s32 $0x80;
	s15 =	simm.s32 $0x5000  }
0x4: {  	s16 =	simm.s32 $0x1;
	s6 =	sand.u32 $0x1, s0;
	s0 =	stileid.u32  }
0x5: {  	s17 =	simm.s32 $0x0;
	[smem:$0x7FF] =	sst s3;
	s8 =	smul.u32 $0x140000, s6  }
0x6: {  	s4 =	sadd.s32 $0x15C00, s7;
	s1 =	sshll.u32 s6, $0x4;
	s9 =	smul.u32 $0x14000, s0  }
0x7: {  	s28 =	smul.u32 $0x50000, s0;
	s6 =	ssub.s32 $0x2, s6;
	s1 =	sor.u32 s0, s1  }
0x8: {  	s31 =	sshll.u32 s0, $0x6;
	s29 =	sshrl.u32 s6, $0x1;
	s5 =	smul.u32 $0x500, s1  }
0x9: {  	s1 =	rddreg [dreg:$0x2];
	_ =	strace $0x80000047;
	s8 =	sadd.s32 s9, s8  }
0xa: {  	s30 =	sshrl.u32 s28, $0x2;
	s12 =	ssub.s32 s6, s29;
	s6 =	sor.u32 $0x1C02, s31  }
0xb: {  	s8 =	sshrl.u32 s8, $0x3;
	s13 =	sadd.s32 s30, s2;
	s10 =	sadd.s32 s5, s7  }
0xc: {  	s5 =	sadd.s32 $0x3DC00, s7;
	s11 =	sadd.s32 s8, s7;
	s7 =	sadd.s32 $0x1C00, s10  }
0xd: {  	s8 =	sadd.s32 $0xBC00, s10;
	s9 =	sadd.s32 $0x40400, s11;
	s10 =	smax.u32 s12, $0x1  }
0xe: {  	s11 =	sshrl.u32 s13, $0x3;
	s12 =	simm.s32 $0x2;
	s13 =	simm.s32 $0x2800  }
.LBB2_1:
0xf: {  	[spmem:s11], [sflag:s6] =	dma.local [hbm:s5], $0x2800  }
0x10: {  	_ =	swait.ge [sflag:s12], $0x2800  }
0x11: {  	[sflag:s12] =	ssyncset.done $0x0  }
0x12: {  	[sflag:s12] =	ssyncadd.s32 $0xFFFFD800  }
0x13: {  	[tilespmem:s3], [sflag:$0x2] =	stream.linear.gather [hbm4b:s7+s3], $0x2780, $0x38;
	[tilespmem:$0x1D000] =	vst v63  }
0x14: {  	_ =	swait.ge [sflag:s12], $0x2780  }
0x15: {  	[sflag:s12] =	ssyncset.done $0x0  }
0x16: {  	[sflag:s12] =	ssyncadd.s32 $0xFFFFD880  }
0x17: {  	[tilespmem:s13], [sflag:$0x2] =	stream.linear.gather [hbm4b:s8+s3], $0x2780, $0x38;
	[tilespmem:$0x1D000] =	vst v63  }
0x18: {  	_ =	swait.ge [sflag:s12], $0x2780  }
0x19: {  	[sflag:s12] =	ssyncset.done $0x0  }
0x1a: {  	[sflag:s12] =	ssyncadd.s32 $0xFFFFD880  }
0x1b: {  	s18 =	simm.s32 $0x0;
	[bflag:$0x0] =	sbarrier.arrive $0xFFFF  }
0x1c: {  	[tilespmem:s15], [sflag:$0x1] =	stream.indirect.gather [hbm4b:s4+s14], $0x80, s18, s14, $0xb8;
	[tilespmem:$0x1D000] =	vst v63  }
0x1d: {  	_ =	swait.ge [sflag:s16], $0x4000  }
0x1e: {  	[sflag:s16] =	ssyncset.done $0x0  }
0x1f: {  	s31 =	simm.s32 $0x2800;
	[sflag:s16] =	ssyncadd.s32 $0xFFFFC000  }
0x20: {  	[spmem:s2] =	stream.indirect.scatter.add.f32 [tilespmem:s15], [sflag:$0x2], $0x80, s31, s14, $0xb8;
	[tilespmem:$0x1D000] =	vst v63  }
0x21: {  	_ =	swait.ge [sflag:s12], $0x4000  }
0x22: {  	s19 =	simm.s32 $0x400;
	s18 =	simm.s32 $0x200;
	[sflag:s12] =	ssyncset.done $0x0  }
.LBB2_2:
0x23: {  	s20 =	sshra.s32 s18, $0x2  }
0x24: {  	[sflag:s12] =	ssyncadd.s32 $0xFFFFC000;
	s18 =	smov.u32 s19;
	s21 =	sadd.s32 $0x200, s19  }
0x25: {  	[tilespmem:s15], [sflag:$0x1] =	stream.indirect.gather [hbm4b:s4+s14], $0x80, s20, s14, $0xb8;
	[tilespmem:$0x1D000] =	vst v63  }
0x26: {  	p0 =	sne.s32 s19, $0x9C00;
	_ =	swait.ge [sflag:s16], $0x4000  }
.Ltmp0:
0x27: {  	[sflag:s16] =	ssyncset.done $0x0;
	(pc) =	sbr.rel @p0 .LBB2_2-.Ltmp0, $4  }
0x28: {  	s19 =	sadd.s32 $0x2800, s20;
	[sflag:s16] =	ssyncadd.s32 $0xFFFFC000  }
0x29: {  	[spmem:s2] =	stream.indirect.scatter.add.f32 [tilespmem:s15], [sflag:$0x2], $0x80, s19, s14, $0xb8;
	[tilespmem:$0x1D000] =	vst v63  }
0x2a: {  	_ =	swait.ge [sflag:s12], $0x4000  }
0x2b: {  	s19 =	smov.u32 s21;
	[sflag:s12] =	ssyncset.done $0x0  }
0x2c: {  	s18 =	sshra.s32 s18, $0x2;
	[sflag:s12] =	ssyncadd.s32 $0xFFFFC000  }
0x2d: {  	[tilespmem:s15], [sflag:$0x1] =	stream.indirect.gather [hbm4b:s4+s14], $0x80, s18, s14, $0xb8;
	[tilespmem:$0x1D000] =	vst v63  }
0x2e: {  	_ =	swait.ge [sflag:s16], $0x4000  }
0x2f: {  	[sflag:s16] =	ssyncset.done $0x0  }
0x30: {  	s18 =	sadd.s32 $0x2800, s18;
	[sflag:s16] =	ssyncadd.s32 $0xFFFFC000  }
0x31: {  	[spmem:s2] =	stream.indirect.scatter.add.f32 [tilespmem:s15], [sflag:$0x2], $0x80, s18, s14, $0xb8;
	[tilespmem:$0x1D000] =	vst v63  }
0x32: {  	_ =	swait.ge [sflag:s12], $0x4000  }
0x33: {  	s17 =	sadd.s32 $0x1, s17;
	[sflag:s12] =	ssyncset.done $0x0  }
0x34: {  	p0 =	sne.s32 s17, s10;
	[sflag:s12] =	ssyncadd.s32 $0xFFFFC000  }
.Ltmp1:
0x35: {  	[bflag:$0x0] =	sbarrier.arrive $0xFFFF;
	(pc) =	sbr.rel @p0 .LBB2_1-.Ltmp1, $4  }
0x36: {  	[hbm:s9], [sflag:s6] =	dma.local [spmem:s11], $0x2800  }
0x37: {  	_ =	swait.ge [sflag:s12], $0x2800  }
0x38: {  	[sflag:s12] =	ssyncset.done $0x0  }
0x39: {  	[sflag:s12] =	ssyncadd.s32 $0xFFFFD800  }
0x3a: {  	_ =	sfence.sel $0x180000  }
0x3b: {  	[bflag:$0x0] =	sbarrier.arrive $0xFFFF  }
0x3c: {  	p0 =	sne.s32 s0, $0x0;
	_ =	strace $0x90000047  }
0x3d: {  	s0 =	sadd.s32 @!p0 $0x100000, s1;
	[bflag:$0x2] =	sbarrier.arrive $0xFFFF  }
0x3e: {  	[sflag:s0] =	ssyncadd.tile.s32 @!p0 $0x1;
	_ =	shalt  }
.Lfunc_end2:
_tile_overlayer_lowered:
.L_overlay_start_2:
0x3f: {  	(tag) =	ssettag $0x2  }
0x40: {  	s0 =	rddreg [dreg:$0x0];
	s2 =	stileid.u32  }
0x41: {  	s1 =	rddreg [dreg:$0x1];
	p0 =	sne.s32 s2, $0x0  }
0x42: {  	s3 =	rddreg [dreg:$0x2];
	[bflag:$0x3] =	sbarrier.arrive $0xFFFF;
	s2 =	simm.s32 @!p0 $0x1C02  }
0x43: {  	[timem:s3], [sflag:s2] =	dma.local @!p0 [hbm:s0], s1  }
0x44: {  	s0 =	simm.s32 @!p0 $0x2  }
0x45: {  	_ =	swait.ge @!p0 [sflag:s0], s1  }
0x46: {  	s1 =	ssub.s32 @!p0 $0x0, s1;
	[sflag:s0] =	ssyncset.done @!p0 $0x0  }
0x47: {  	[sflag:s0] =	ssyncadd.s32 @!p0 s1  }
0x48: {  	[bflag:$0x3] =	sbarrier.arrive $0xFFFF  }
0x49: {  	_ =	shalt  }

</sc_bundles>
